<compile_context>
chip_gen: v7x
topology: tpu7x:2x2x1
jax: 0.10.2.dev20260603
libtpu: 0.0.44.dev20260713+nightly
codegen_flags: <defaults>
</compile_context>

<pallas_src>
import functools

import numpy as np

import jax
import jax.numpy as jnp
from jax import lax
from jax.experimental import pallas as pl
from jax.experimental.pallas import tpu as pltpu
from jax.experimental.pallas import tpu_sc as plsc

D_MODEL = 768
D_FF = 1024
N_EXPERTS = 64
CAPACITY = 80
AUX_COEF = 0.01
ZLOSS_COEF = 0.001
EPS = 1e-9

N_TOKENS = 4096
BLK_T = 512
N_BLK = N_TOKENS // BLK_T
DUMP = N_EXPERTS * CAPACITY
SLOTS = (N_EXPERTS + 2) * CAPACITY

SC_NC = 2
SC_NS = 16
SC_NW = SC_NC * SC_NS
TOK_PER_W = N_TOKENS // SC_NW


_TRIL = np.tril(np.ones((BLK_T, BLK_T), np.float32), -1)


def _router_body(l_ref, tril_ref, pos_ref, scale_ref, load_ref, imp_ref,
                 aux_ref, carry, imp_acc, z2_acc):
    i = pl.program_id(0)

    @pl.when(i == 0)
    def _init():
        carry[...] = jnp.zeros_like(carry)
        imp_acc[...] = jnp.zeros_like(imp_acc)
        z2_acc[0, 0] = 0.0

    logits = l_ref[...]
    m = jnp.max(logits, axis=1, keepdims=True)
    ex = jnp.exp(logits - m)
    s = jnp.sum(ex, axis=1, keepdims=True)
    probs = ex / s
    v = jnp.max(probs, axis=1, keepdims=True)
    iota_e = lax.broadcasted_iota(jnp.int32, (BLK_T, N_EXPERTS), 1)
    idx = jnp.min(jnp.where(probs == v, iota_e, N_EXPERTS), axis=1,
                  keepdims=True)
    oh = (iota_e == idx).astype(jnp.float32)

    prev = lax.dot_general(
        tril_ref[...], oh, (((1,), (0,)), ((), ())),
        preferred_element_type=jnp.float32,
        precision=lax.Precision.DEFAULT)
    rank_f = jnp.sum(oh * (prev + carry[0:1, :]), axis=1, keepdims=True)
    rank = rank_f.astype(jnp.int32)
    keep = rank < CAPACITY
    pos_ref[...] = jnp.where(keep, idx * CAPACITY + rank, DUMP)
    gate = v / (v + EPS)
    scale = jnp.where(keep, gate, 0.0)
    scale_ref[...] = jnp.broadcast_to(scale, (BLK_T, 128))

    carry[...] = carry[...] + jnp.sum(oh, axis=0, keepdims=True)
    imp_acc[...] = imp_acc[...] + jnp.sum(probs, axis=0, keepdims=True)
    z = m[:, 0] + jnp.log(s[:, 0])
    z2_acc[0, 0] = z2_acc[0, 0] + jnp.sum(z * z)

    @pl.when(i == N_BLK - 1)
    def _fin():
        cnt = carry[...]
        load = jnp.minimum(cnt, float(CAPACITY))
        load_ref[...] = load.astype(jnp.int32)
        imp = imp_acc[...]
        imp_ref[...] = imp
        imp_norm = imp[0:1, :] / (jnp.sum(imp[0:1, :]) + EPS)
        load_norm = load[0:1, :] / (jnp.sum(load[0:1, :]) + EPS)
        balance = N_EXPERTS * jnp.sum(imp_norm * load_norm)
        zloss = z2_acc[0, 0] / N_TOKENS
        aux = AUX_COEF * balance + ZLOSS_COEF * zloss
        aux_ref[...] = jnp.full((8, 128), aux, dtype=jnp.float32)


def _router(logits):
    return pl.pallas_call(
        _router_body,
        grid=(N_BLK,),
        in_specs=[
            pl.BlockSpec((BLK_T, N_EXPERTS), lambda i: (i, 0)),
            pl.BlockSpec((BLK_T, BLK_T), lambda i: (0, 0)),
        ],
        out_specs=[
            pl.BlockSpec((BLK_T, 1), lambda i: (i, 0)),
            pl.BlockSpec((BLK_T, 128), lambda i: (i, 0)),
            pl.BlockSpec((8, N_EXPERTS), lambda i: (0, 0)),
            pl.BlockSpec((8, N_EXPERTS), lambda i: (0, 0)),
            pl.BlockSpec((8, 128), lambda i: (0, 0)),
        ],
        out_shape=[
            jax.ShapeDtypeStruct((N_TOKENS, 1), jnp.int32),
            jax.ShapeDtypeStruct((N_TOKENS, 128), jnp.float32),
            jax.ShapeDtypeStruct((8, N_EXPERTS), jnp.int32),
            jax.ShapeDtypeStruct((8, N_EXPERTS), jnp.float32),
            jax.ShapeDtypeStruct((8, 128), jnp.float32),
        ],
        scratch_shapes=[
            pltpu.VMEM((8, N_EXPERTS), jnp.float32),
            pltpu.VMEM((8, N_EXPERTS), jnp.float32),
            pltpu.SMEM((1, 1), jnp.float32),
        ],
    )(logits, jnp.asarray(_TRIL))


def _dispatch(x_flat, pos, scale_exp):
    mesh = plsc.VectorSubcoreMesh(core_axis_name="c", subcore_axis_name="s")

    @functools.partial(
        pl.kernel, mesh=mesh,
        out_type=[
            jax.ShapeDtypeStruct((SLOTS, D_MODEL), jnp.float32),
            jax.ShapeDtypeStruct((SLOTS, 128), jnp.float32),
        ],
        scratch_types=[
            pltpu.VMEM((TOK_PER_W,), jnp.int32),
            pltpu.VMEM((TOK_PER_W, D_MODEL), jnp.float32),
            pltpu.VMEM((TOK_PER_W, 128), jnp.float32),
            pltpu.SemaphoreType.DMA,
            pltpu.SemaphoreType.DMA,
        ],
    )
    def disp(x_hbm, pos_hbm, se_hbm, xbuf_hbm, sbuf_hbm,
             idx_v, xrows_v, srows_v, sem1, sem2):
        wid = lax.axis_index("s") * SC_NC + lax.axis_index("c")
        base = wid * TOK_PER_W
        pltpu.sync_copy(pos_hbm.at[pl.ds(base, TOK_PER_W)], idx_v)
        pltpu.sync_copy(x_hbm.at[pl.ds(base, TOK_PER_W)], xrows_v)
        pltpu.sync_copy(se_hbm.at[pl.ds(base, TOK_PER_W)], srows_v)
        cp1 = pltpu.async_copy(xrows_v, xbuf_hbm.at[idx_v], sem1)
        cp2 = pltpu.async_copy(srows_v, sbuf_hbm.at[idx_v], sem2)
        cp1.wait()
        cp2.wait()

    return disp(x_flat, pos, scale_exp)


def _ffn_body(x_ref, w1_ref, b1_ref, w2_ref, b2_ref, s_ref, o_ref):
    s = s_ref[...][:, 0:1]
    for k in range(2):
        r = slice(k * CAPACITY, (k + 1) * CAPACITY)
        h = jnp.dot(x_ref[r, :], w1_ref[k],
                    preferred_element_type=jnp.float32,
                    precision=lax.Precision.DEFAULT) + b1_ref[k]
        h = 0.5 * h * (1.0 + lax.erf(h * 0.7071067811865476))
        out = jnp.dot(h, w2_ref[k], preferred_element_type=jnp.float32,
                      precision=lax.Precision.DEFAULT) + b2_ref[k]
        o_ref[r, :] = jnp.where(s[r, :] > 0.0, out * s[r, :], 0.0)


def _ffn(xbuf, sbuf, w1, b1, w2, b2):
    grid = N_EXPERTS // 2 + 1
    ew = N_EXPERTS // 2 - 1
    return pl.pallas_call(
        _ffn_body,
        grid=(grid,),
        in_specs=[
            pl.BlockSpec((2 * CAPACITY, D_MODEL), lambda e: (e, 0)),
            pl.BlockSpec((2, D_MODEL, D_FF),
                         lambda e: (jnp.minimum(e, ew), 0, 0)),
            pl.BlockSpec((2, 1, D_FF),
                         lambda e: (jnp.minimum(e, ew), 0, 0)),
            pl.BlockSpec((2, D_FF, D_MODEL),
                         lambda e: (jnp.minimum(e, ew), 0, 0)),
            pl.BlockSpec((2, 1, D_MODEL),
                         lambda e: (jnp.minimum(e, ew), 0, 0)),
            pl.BlockSpec((2 * CAPACITY, 128), lambda e: (e, 0)),
        ],
        out_specs=pl.BlockSpec((2 * CAPACITY, D_MODEL), lambda e: (e, 0)),
        out_shape=jax.ShapeDtypeStruct((SLOTS, D_MODEL), jnp.float32),
    )(xbuf, w1, b1.reshape(N_EXPERTS, 1, D_FF), w2,
      b2.reshape(N_EXPERTS, 1, D_MODEL), sbuf)


def _combine(obuf, pos):
    mesh = plsc.VectorSubcoreMesh(core_axis_name="c", subcore_axis_name="s")

    @functools.partial(
        pl.kernel, mesh=mesh,
        out_type=jax.ShapeDtypeStruct((N_TOKENS, D_MODEL), jnp.float32),
        scratch_types=[
            pltpu.VMEM((TOK_PER_W,), jnp.int32),
            pltpu.VMEM((TOK_PER_W, D_MODEL), jnp.float32),
            pltpu.SemaphoreType.DMA,
        ],
    )
    def comb(obuf_hbm, pos_hbm, y_hbm, idx_v, rows_v, sem):
        wid = lax.axis_index("s") * SC_NC + lax.axis_index("c")
        base = wid * TOK_PER_W
        pltpu.sync_copy(pos_hbm.at[pl.ds(base, TOK_PER_W)], idx_v)
        pltpu.async_copy(obuf_hbm.at[idx_v], rows_v, sem).wait()
        pltpu.sync_copy(rows_v, y_hbm.at[pl.ds(base, TOK_PER_W)])

    return comb(obuf, pos)


def kernel(x, router_w, w1, b1, w2, b2):
    B, T, D = x.shape
    x_flat = x.reshape(B * T, D)
    logits = x_flat @ router_w.T
    pos2, scale_exp, load8, imp8, aux8 = _router(logits)
    pos = pos2.reshape(B * T)
    xbuf, sbuf = _dispatch(x_flat, pos, scale_exp)
    obuf = _ffn(xbuf, sbuf, w1, b1, w2, b2)
    y_flat = _combine(obuf, pos)
    y = y_flat.reshape(B, T, D)
    return (y, aux8[0, 0], load8[0], imp8[0])

# --- scband reference (transcript-rebuilt; emitter-appended) ---
"""Pipeline reference for scband-mo-e-19172734010056 (READ-ONLY COPY).

The authoritative reference and input builder live on the scoring server;
editing this copy changes nothing except your own understanding.
"""

import jax, jax.numpy as jnp
import numpy as np

D_MODEL = 768
D_FF = 1024
N_EXPERTS = 64
TOP_K = 1
CAPACITY_FACTOR = 1.25
AUX_COEF = 0.01
ZLOSS_COEF = 0.001


def setup_inputs(seed: int = 0) -> dict:
    key = jax.random.key(seed)
    ks = jax.random.split(key, 6)
    x = jax.random.normal(ks[0], (2, 2048, D_MODEL), dtype=jnp.float32)
    router_w = jax.random.normal(ks[1], (N_EXPERTS, D_MODEL), dtype=jnp.float32) * (1.0 / np.sqrt(D_MODEL))
    w1 = jax.random.normal(ks[2], (N_EXPERTS, D_MODEL, D_FF), dtype=jnp.float32) * (1.0 / np.sqrt(D_MODEL))
    b1 = jnp.zeros((N_EXPERTS, D_FF), dtype=jnp.float32)
    w2 = jax.random.normal(ks[3], (N_EXPERTS, D_FF, D_MODEL), dtype=jnp.float32) * (1.0 / np.sqrt(D_FF))
    b2 = jnp.zeros((N_EXPERTS, D_MODEL), dtype=jnp.float32)
    return {"x": x, "router_w": router_w, "w1": w1, "b1": b1, "w2": w2, "b2": b2}


def _moe_forward(x, router_w, w1, b1, w2, b2):
    B, T, D = x.shape
    N = B * T
    E = router_w.shape[0]
    K = TOP_K
    eps = 1e-9
    x_flat = x.reshape(N, D)
    router_logits = x_flat @ router_w.T
    router_probs = jax.nn.softmax(router_logits, axis=-1)
    topk_vals, topk_idx = jax.lax.top_k(router_probs, K)
    topk_weights = topk_vals / (topk_vals.sum(axis=-1, keepdims=True) + eps)
    importance = router_probs.sum(axis=0)
    total_assignments = N * K
    capacity = int(np.ceil(CAPACITY_FACTOR * total_assignments / E))
    flat_expert = topk_idx.reshape(-1)
    flat_w = topk_weights.reshape(-1)
    onehot = jax.nn.one_hot(flat_expert, E, dtype=jnp.int32)
    cum = jnp.cumsum(onehot, axis=0)
    rank = jnp.take_along_axis(cum - 1, flat_expert[:, None], axis=1)[:, 0]
    keep = rank < capacity
    expert_load = (onehot * keep[:, None].astype(jnp.int32)).sum(axis=0)
    dropped = total_assignments - expert_load.sum()
    pos = jnp.where(keep, flat_expert * capacity + rank, 0)
    x_rep = jnp.repeat(x_flat, K, axis=0)
    keep_f = keep[:, None].astype(x.dtype)
    buf = jnp.zeros((E * capacity, D), dtype=x.dtype).at[pos].add(x_rep * keep_f)
    expert_in = buf.reshape(E, capacity, D)
    h = jnp.einsum('ecd,edf->ecf', expert_in, w1) + b1[:, None, :]
    h = jax.nn.gelu(h, approximate=False)
    out = jnp.einsum('ecf,efd->ecd', h, w2) + b2[:, None, :]
    out_flat = out.reshape(E * capacity, D)
    gathered = out_flat[pos] * keep_f * flat_w[:, None]
    y_flat = gathered.reshape(N, K, D).sum(axis=1)
    y = y_flat.reshape(B, T, D)
    imp_norm = importance / (importance.sum() + eps)
    load_f = expert_load.astype(jnp.float32)
    load_norm = load_f / (load_f.sum() + eps)
    balance_loss = E * (imp_norm * load_norm).sum()
    z = jax.nn.logsumexp(router_logits, axis=-1)
    z_loss = (z ** 2).mean()
    aux_loss = AUX_COEF * balance_loss + ZLOSS_COEF * z_loss
    return y, aux_loss, expert_load, importance, dropped


def reference(x, router_w, w1, b1, w2, b2):
    y, aux_loss, expert_load, importance, dropped = _moe_forward(x, router_w, w1, b1, w2, b2)
    return (y, aux_loss, expert_load, importance)

if __name__ == "__main__":
    import jax
    _d = setup_inputs()
    print(jax.jit(kernel)(*tuple(_d.values())))

</pallas_src>

<mosaic_0001>
#map = affine_map<(d0, d1) -> (0, 0)>
#map1 = affine_map<(d0, d1) -> (0)>
module attributes {stable_mosaic.version = 14 : i64} {
  func.func @disp(%arg0: i32, %arg1: i32, %arg2: memref<4096x768xf32, #tpu.memory_space<hbm>>, %arg3: memref<4096xi32, #tpu.memory_space<hbm>>, %arg4: memref<4096x128xf32, #tpu.memory_space<hbm>>, %arg5: memref<5280x768xf32, #tpu.memory_space<hbm>>, %arg6: memref<5280x128xf32, #tpu.memory_space<hbm>>, %arg7: memref<128xi32, #tpu.memory_space<vmem>>, %arg8: memref<128x768xf32, #tpu.memory_space<vmem>>, %arg9: memref<128x128xf32, #tpu.memory_space<vmem>>, %arg10: memref<!tpu.dma_semaphore, #tpu.memory_space<semaphore_mem>>, %arg11: memref<!tpu.dma_semaphore, #tpu.memory_space<semaphore_mem>>) attributes {dimension_semantics = [#tpu.dimension_semantics<core_parallel>, #tpu.dimension_semantics<subcore_parallel>], iteration_bounds = array<i64: 2, 16>, scalar_prefetch = 0 : i64, scratch_operands = 5 : i64, tpu.core_type = #tpu.core_type<sc_vector_subcore>, window_params = [{transform_indices = #map}, {transform_indices = #map1}, {transform_indices = #map}, {transform_indices = #map}, {transform_indices = #map}]} {
    %mul3A = arith.constant 2 : i32
    %mul3A_0 = arith.muli %arg1, %mul3A : i32
    %add3A = arith.addi %mul3A_0, %arg0 : i32
    %mul3A_1 = arith.constant 128 : i32
    %mul3A_2 = arith.muli %add3A, %mul3A_1 : i32
    "tpu.region"() ({
      %run_scoped3A = tpu.sem_alloc : memref<!tpu.dma_semaphore, #tpu.memory_space<semaphore_mem>>
      %dma_start3A_13 = tpu.memref_slice %arg3[%mul3A_2] : memref<4096xi32, #tpu.memory_space<hbm>> -> memref<128xi32, #tpu.memory_space<hbm>>
      %dma_start3A_14 = tpu.memref_slice %arg3[%mul3A_2] : memref<4096xi32, #tpu.memory_space<hbm>> -> memref<128xi32, #tpu.memory_space<hbm>>
      tpu.enqueue_dma source(%dma_start3A_14 : memref<128xi32, #tpu.memory_space<hbm>>) target(%arg7 : memref<128xi32, #tpu.memory_space<vmem>>) target_semaphore(%run_scoped3A : memref<!tpu.dma_semaphore, #tpu.memory_space<semaphore_mem>>)
      %dma_wait3A_15 = tpu.memref_slice %arg3[%mul3A_2] : memref<4096xi32, #tpu.memory_space<hbm>> -> memref<128xi32, #tpu.memory_space<hbm>>
      %dma_wait3A_16 = tpu.memref_slice %arg3[%mul3A_2] : memref<4096xi32, #tpu.memory_space<hbm>> -> memref<128xi32, #tpu.memory_space<hbm>>
      tpu.wait_dma2 semaphore(%run_scoped3A : memref<!tpu.dma_semaphore, #tpu.memory_space<semaphore_mem>>) src(%dma_wait3A_16 : memref<128xi32, #tpu.memory_space<hbm>>) dst(%arg7 : memref<128xi32, #tpu.memory_space<vmem>>)
      tpu.yield
    }) : () -> ()
    "tpu.region"() ({
      %run_scoped3A = tpu.sem_alloc : memref<!tpu.dma_semaphore, #tpu.memory_space<semaphore_mem>>
      %dma_start3A_13 = arith.constant 0 : i32
      %dma_start3A_14 = tpu.memref_slice %arg2[%mul3A_2, %dma_start3A_13] : memref<4096x768xf32, #tpu.memory_space<hbm>> -> memref<128x768xf32, #tpu.memory_space<hbm>>
      %dma_start3A_15 = arith.constant 0 : i32
      %dma_start3A_16 = tpu.memref_slice %arg2[%mul3A_2, %dma_start3A_15] : memref<4096x768xf32, #tpu.memory_space<hbm>> -> memref<128x768xf32, #tpu.memory_space<hbm>>
      tpu.enqueue_dma source(%dma_start3A_16 : memref<128x768xf32, #tpu.memory_space<hbm>>) target(%arg8 : memref<128x768xf32, #tpu.memory_space<vmem>>) target_semaphore(%run_scoped3A : memref<!tpu.dma_semaphore, #tpu.memory_space<semaphore_mem>>)
      %dma_wait3A_17 = arith.constant 0 : i32
      %dma_wait3A_18 = tpu.memref_slice %arg2[%mul3A_2, %dma_wait3A_17] : memref<4096x768xf32, #tpu.memory_space<hbm>> -> memref<128x768xf32, #tpu.memory_space<hbm>>
      %dma_wait3A_19 = arith.constant 0 : i32
      %dma_wait3A_20 = tpu.memref_slice %arg2[%mul3A_2, %dma_wait3A_19] : memref<4096x768xf32, #tpu.memory_space<hbm>> -> memref<128x768xf32, #tpu.memory_space<hbm>>
      tpu.wait_dma2 semaphore(%run_scoped3A : memref<!tpu.dma_semaphore, #tpu.memory_space<semaphore_mem>>) src(%dma_wait3A_20 : memref<128x768xf32, #tpu.memory_space<hbm>>) dst(%arg8 : memref<128x768xf32, #tpu.memory_space<vmem>>)
      tpu.yield
    }) : () -> ()
    "tpu.region"() ({
      %run_scoped3A = tpu.sem_alloc : memref<!tpu.dma_semaphore, #tpu.memory_space<semaphore_mem>>
      %dma_start3A_13 = arith.constant 0 : i32
      %dma_start3A_14 = tpu.memref_slice %arg4[%mul3A_2, %dma_start3A_13] : memref<4096x128xf32, #tpu.memory_space<hbm>> -> memref<128x128xf32, #tpu.memory_space<hbm>>
      %dma_start3A_15 = arith.constant 0 : i32
      %dma_start3A_16 = tpu.memref_slice %arg4[%mul3A_2, %dma_start3A_15] : memref<4096x128xf32, #tpu.memory_space<hbm>> -> memref<128x128xf32, #tpu.memory_space<hbm>>
      tpu.enqueue_dma source(%dma_start3A_16 : memref<128x128xf32, #tpu.memory_space<hbm>>) target(%arg9 : memref<128x128xf32, #tpu.memory_space<vmem>>) target_semaphore(%run_scoped3A : memref<!tpu.dma_semaphore, #tpu.memory_space<semaphore_mem>>)
      %dma_wait3A_17 = arith.constant 0 : i32
      %dma_wait3A_18 = tpu.memref_slice %arg4[%mul3A_2, %dma_wait3A_17] : memref<4096x128xf32, #tpu.memory_space<hbm>> -> memref<128x128xf32, #tpu.memory_space<hbm>>
      %dma_wait3A_19 = arith.constant 0 : i32
      %dma_wait3A_20 = tpu.memref_slice %arg4[%mul3A_2, %dma_wait3A_19] : memref<4096x128xf32, #tpu.memory_space<hbm>> -> memref<128x128xf32, #tpu.memory_space<hbm>>
      tpu.wait_dma2 semaphore(%run_scoped3A : memref<!tpu.dma_semaphore, #tpu.memory_space<semaphore_mem>>) src(%dma_wait3A_20 : memref<128x128xf32, #tpu.memory_space<hbm>>) dst(%arg9 : memref<128x128xf32, #tpu.memory_space<vmem>>)
      tpu.yield
    }) : () -> ()
    %dma_start3A = arith.constant 0 : i32
    %dma_start3A_3 = arith.constant 0 : i32
    %dma_start3A_4 = tpu.memref_slice %arg5[%dma_start3A, %dma_start3A_3] : memref<5280x768xf32, #tpu.memory_space<hbm>> -> memref<5280x768xf32, #tpu.memory_space<hbm>>
    tpu.enqueue_indirect_dma source(%arg8 : memref<128x768xf32, #tpu.memory_space<vmem>>) target(%dma_start3A_4 : memref<5280x768xf32, #tpu.memory_space<hbm>>) offsets(%arg7 : memref<128xi32, #tpu.memory_space<vmem>>) semaphore(%arg10 : memref<!tpu.dma_semaphore, #tpu.memory_space<semaphore_mem>>)
    %dma_start3A_5 = arith.constant 0 : i32
    %dma_start3A_6 = arith.constant 0 : i32
    %dma_start3A_7 = tpu.memref_slice %arg6[%dma_start3A_5, %dma_start3A_6] : memref<5280x128xf32, #tpu.memory_space<hbm>> -> memref<5280x128xf32, #tpu.memory_space<hbm>>
    tpu.enqueue_indirect_dma source(%arg9 : memref<128x128xf32, #tpu.memory_space<vmem>>) target(%dma_start3A_7 : memref<5280x128xf32, #tpu.memory_space<hbm>>) offsets(%arg7 : memref<128xi32, #tpu.memory_space<vmem>>) semaphore(%arg11 : memref<!tpu.dma_semaphore, #tpu.memory_space<semaphore_mem>>)
    %dma_wait3A = arith.constant 0 : i32
    %dma_wait3A_8 = arith.constant 0 : i32
    %dma_wait3A_9 = tpu.memref_slice %arg5[%dma_wait3A, %dma_wait3A_8] : memref<5280x768xf32, #tpu.memory_space<hbm>> -> memref<5280x768xf32, #tpu.memory_space<hbm>>
    tpu.wait_indirect_dma semaphore(%arg10 : memref<!tpu.dma_semaphore, #tpu.memory_space<semaphore_mem>>) src(%arg8 : memref<128x768xf32, #tpu.memory_space<vmem>>) dst(%dma_wait3A_9 : memref<5280x768xf32, #tpu.memory_space<hbm>>)
    %dma_wait3A_10 = arith.constant 0 : i32
    %dma_wait3A_11 = arith.constant 0 : i32
    %dma_wait3A_12 = tpu.memref_slice %arg6[%dma_wait3A_10, %dma_wait3A_11] : memref<5280x128xf32, #tpu.memory_space<hbm>> -> memref<5280x128xf32, #tpu.memory_space<hbm>>
    tpu.wait_indirect_dma semaphore(%arg11 : memref<!tpu.dma_semaphore, #tpu.memory_space<semaphore_mem>>) src(%arg9 : memref<128x128xf32, #tpu.memory_space<vmem>>) dst(%dma_wait3A_12 : memref<5280x128xf32, #tpu.memory_space<hbm>>)
    return
  }
}

#map = affine_map<(d0, d1) -> (0, 0)>
#map1 = affine_map<(d0, d1) -> (0)>
module attributes {stable_mosaic.version = 14 : i64} {
  func.func @comb(%arg0: i32, %arg1: i32, %arg2: memref<5280x768xf32, #tpu.memory_space<hbm>>, %arg3: memref<4096xi32, #tpu.memory_space<hbm>>, %arg4: memref<4096x768xf32, #tpu.memory_space<hbm>>, %arg5: memref<128xi32, #tpu.memory_space<vmem>>, %arg6: memref<128x768xf32, #tpu.memory_space<vmem>>, %arg7: memref<!tpu.dma_semaphore, #tpu.memory_space<semaphore_mem>>) attributes {dimension_semantics = [#tpu.dimension_semantics<core_parallel>, #tpu.dimension_semantics<subcore_parallel>], iteration_bounds = array<i64: 2, 16>, scalar_prefetch = 0 : i64, scratch_operands = 3 : i64, tpu.core_type = #tpu.core_type<sc_vector_subcore>, window_params = [{transform_indices = #map}, {transform_indices = #map1}, {transform_indices = #map}]} {
    %mul3A = arith.constant 2 : i32
    %mul3A_0 = arith.muli %arg1, %mul3A : i32
    %add3A = arith.addi %mul3A_0, %arg0 : i32
    %mul3A_1 = arith.constant 128 : i32
    %mul3A_2 = arith.muli %add3A, %mul3A_1 : i32
    "tpu.region"() ({
      %run_scoped3A = tpu.sem_alloc : memref<!tpu.dma_semaphore, #tpu.memory_space<semaphore_mem>>
      %dma_start3A_7 = tpu.memref_slice %arg3[%mul3A_2] : memref<4096xi32, #tpu.memory_space<hbm>> -> memref<128xi32, #tpu.memory_space<hbm>>
      %dma_start3A_8 = tpu.memref_slice %arg3[%mul3A_2] : memref<4096xi32, #tpu.memory_space<hbm>> -> memref<128xi32, #tpu.memory_space<hbm>>
      tpu.enqueue_dma source(%dma_start3A_8 : memref<128xi32, #tpu.memory_space<hbm>>) target(%arg5 : memref<128xi32, #tpu.memory_space<vmem>>) target_semaphore(%run_scoped3A : memref<!tpu.dma_semaphore, #tpu.memory_space<semaphore_mem>>)
      %dma_wait3A_9 = tpu.memref_slice %arg3[%mul3A_2] : memref<4096xi32, #tpu.memory_space<hbm>> -> memref<128xi32, #tpu.memory_space<hbm>>
      %dma_wait3A_10 = tpu.memref_slice %arg3[%mul3A_2] : memref<4096xi32, #tpu.memory_space<hbm>> -> memref<128xi32, #tpu.memory_space<hbm>>
      tpu.wait_dma2 semaphore(%run_scoped3A : memref<!tpu.dma_semaphore, #tpu.memory_space<semaphore_mem>>) src(%dma_wait3A_10 : memref<128xi32, #tpu.memory_space<hbm>>) dst(%arg5 : memref<128xi32, #tpu.memory_space<vmem>>)
      tpu.yield
    }) : () -> ()
    %dma_start3A = arith.constant 0 : i32
    %dma_start3A_3 = arith.constant 0 : i32
    %dma_start3A_4 = tpu.memref_slice %arg2[%dma_start3A, %dma_start3A_3] : memref<5280x768xf32, #tpu.memory_space<hbm>> -> memref<5280x768xf32, #tpu.memory_space<hbm>>
    tpu.enqueue_indirect_dma source(%dma_start3A_4 : memref<5280x768xf32, #tpu.memory_space<hbm>>) target(%arg6 : memref<128x768xf32, #tpu.memory_space<vmem>>) offsets(%arg5 : memref<128xi32, #tpu.memory_space<vmem>>) semaphore(%arg7 : memref<!tpu.dma_semaphore, #tpu.memory_space<semaphore_mem>>)
    %dma_wait3A = arith.constant 0 : i32
    %dma_wait3A_5 = arith.constant 0 : i32
    %dma_wait3A_6 = tpu.memref_slice %arg2[%dma_wait3A, %dma_wait3A_5] : memref<5280x768xf32, #tpu.memory_space<hbm>> -> memref<5280x768xf32, #tpu.memory_space<hbm>>
    tpu.wait_indirect_dma semaphore(%arg7 : memref<!tpu.dma_semaphore, #tpu.memory_space<semaphore_mem>>) src(%dma_wait3A_6 : memref<5280x768xf32, #tpu.memory_space<hbm>>) dst(%arg6 : memref<128x768xf32, #tpu.memory_space<vmem>>)
    "tpu.region"() ({
      %run_scoped3A = tpu.sem_alloc : memref<!tpu.dma_semaphore, #tpu.memory_space<semaphore_mem>>
      %dma_start3A_7 = arith.constant 0 : i32
      %dma_start3A_8 = tpu.memref_slice %arg4[%mul3A_2, %dma_start3A_7] : memref<4096x768xf32, #tpu.memory_space<hbm>> -> memref<128x768xf32, #tpu.memory_space<hbm>>
      %dma_start3A_9 = arith.constant 0 : i32
      %dma_start3A_10 = tpu.memref_slice %arg4[%mul3A_2, %dma_start3A_9] : memref<4096x768xf32, #tpu.memory_space<hbm>> -> memref<128x768xf32, #tpu.memory_space<hbm>>
      tpu.enqueue_dma source(%arg6 : memref<128x768xf32, #tpu.memory_space<vmem>>) target(%dma_start3A_10 : memref<128x768xf32, #tpu.memory_space<hbm>>) target_semaphore(%run_scoped3A : memref<!tpu.dma_semaphore, #tpu.memory_space<semaphore_mem>>)
      %dma_wait3A_11 = arith.constant 0 : i32
      %dma_wait3A_12 = tpu.memref_slice %arg4[%mul3A_2, %dma_wait3A_11] : memref<4096x768xf32, #tpu.memory_space<hbm>> -> memref<128x768xf32, #tpu.memory_space<hbm>>
      %dma_wait3A_13 = arith.constant 0 : i32
      %dma_wait3A_14 = tpu.memref_slice %arg4[%mul3A_2, %dma_wait3A_13] : memref<4096x768xf32, #tpu.memory_space<hbm>> -> memref<128x768xf32, #tpu.memory_space<hbm>>
      tpu.wait_dma2 semaphore(%run_scoped3A : memref<!tpu.dma_semaphore, #tpu.memory_space<semaphore_mem>>) src(%arg6 : memref<128x768xf32, #tpu.memory_space<vmem>>) dst(%dma_wait3A_14 : memref<128x768xf32, #tpu.memory_space<hbm>>)
      tpu.yield
    }) : () -> ()
    return
  }
}

module attributes {stable_mosaic.version = 14 : i64} {
  func.func @_router_body(%arg0: i32, %arg1: memref<512x64xf32, #tpu.memory_space<vmem>>, %arg2: memref<512x512xf32, #tpu.memory_space<vmem>>, %arg3: memref<512x1xi32, #tpu.memory_space<vmem>>, %arg4: memref<512x128xf32, #tpu.memory_space<vmem>>, %arg5: memref<8x64xi32, #tpu.memory_space<vmem>>, %arg6: memref<8x64xf32, #tpu.memory_space<vmem>>, %arg7: memref<8x128xf32, #tpu.memory_space<vmem>>, %arg8: memref<8x64xf32, #tpu.memory_space<vmem>>, %arg9: memref<8x64xf32, #tpu.memory_space<vmem>>, %arg10: memref<1x1xf32, #tpu.memory_space<smem>>) attributes {dimension_semantics = [#tpu.dimension_semantics<arbitrary>], iteration_bounds = array<i64: 8>, scalar_prefetch = 0 : i64, scratch_operands = 3 : i64, tpu.core_type = #tpu.core_type<tc>, window_params = [{transform_indices = @transform_0, window_bounds = array<i64: 512, 64>}, {pipeline_mode = #tpu.pipeline_mode<synchronous>, transform_indices = @transform_1, window_bounds = array<i64: 512, 512>}, {transform_indices = @transform_2, window_bounds = array<i64: 512, 1>}, {transform_indices = @transform_3, window_bounds = array<i64: 512, 128>}, {pipeline_mode = #tpu.pipeline_mode<synchronous>, transform_indices = @transform_4, window_bounds = array<i64: 8, 64>}, {pipeline_mode = #tpu.pipeline_mode<synchronous>, transform_indices = @transform_5, window_bounds = array<i64: 8, 64>}, {pipeline_mode = #tpu.pipeline_mode<synchronous>, transform_indices = @transform_6, window_bounds = array<i64: 8, 128>}]} {
    %eq3A = arith.constant 0 : i32
    %eq3A_0 = arith.cmpi eq, %arg0, %eq3A : i32
    %convert_element_type3A = arith.extui %eq3A_0 : i1 to i32
    %cond3A = arith.constant 0 : i32
    %cond3A_1 = arith.cmpi ne, %convert_element_type3A, %cond3A : i32
    scf.if %cond3A_1 {
      %broadcast_in_dim3A_98 = arith.constant 0.000000e+00 : f32
      %broadcast_in_dim3A_99 = vector.broadcast %broadcast_in_dim3A_98 : f32 to vector<8x64xf32>
      %swap3A_100 = arith.constant 0 : index
      %swap3A_101 = arith.constant 0 : index
      %swap3A_102 = vector.load %arg8[%swap3A_100, %swap3A_101] : memref<8x64xf32, #tpu.memory_space<vmem>>, vector<8x64xf32>
      tpu.vector_store %arg8[%swap3A_100, %swap3A_101], %broadcast_in_dim3A_99 {strides = array<i32>} : memref<8x64xf32, #tpu.memory_space<vmem>>, vector<8x64xf32>,
      %broadcast_in_dim3A_103 = arith.constant 0.000000e+00 : f32
      %broadcast_in_dim3A_104 = vector.broadcast %broadcast_in_dim3A_103 : f32 to vector<8x64xf32>
      %swap3A_105 = arith.constant 0 : index
      %swap3A_106 = arith.constant 0 : index
      %swap3A_107 = vector.load %arg9[%swap3A_105, %swap3A_106] : memref<8x64xf32, #tpu.memory_space<vmem>>, vector<8x64xf32>
      tpu.vector_store %arg9[%swap3A_105, %swap3A_106], %broadcast_in_dim3A_104 {strides = array<i32>} : memref<8x64xf32, #tpu.memory_space<vmem>>, vector<8x64xf32>,
      %swap3A_108 = arith.constant 0.000000e+00 : f32
      %swap3A_109 = arith.constant 0 : index
      %swap3A_110 = arith.constant 0 : index
      %swap3A_111 = memref.load %arg10[%swap3A_109, %swap3A_110] : memref<1x1xf32, #tpu.memory_space<smem>>
      memref.store %swap3A_108, %arg10[%swap3A_109, %swap3A_110] : memref<1x1xf32, #tpu.memory_space<smem>>
    } else {
    }
    %get3A = arith.constant 0 : index
    %get3A_2 = arith.constant 0 : index
    %get3A_3 = vector.load %arg1[%get3A, %get3A_2] : memref<512x64xf32, #tpu.memory_space<vmem>>, vector<512x64xf32>
    %reduce_max3A = arith.constant dense<0xFF800000> : vector<512xf32>
    %reduce_max3A_4 = vector.multi_reduction <maximumf>, %get3A_3, %reduce_max3A [1] : vector<512x64xf32> to vector<512xf32>
    %broadcast_in_dim3A = vector.shape_cast %reduce_max3A_4 : vector<512xf32> to vector<512x1xf32>
    %sub3A = vector.broadcast %broadcast_in_dim3A : vector<512x1xf32> to vector<512x64xf32>
    %sub3A_5 = arith.subf %get3A_3, %sub3A : vector<512x64xf32>
    %exp3A = math.exp %sub3A_5 : vector<512x64xf32>
    %reduce_sum3A = arith.constant dense<0.000000e+00> : vector<512xf32>
    %reduce_sum3A_6 = vector.multi_reduction <add>, %exp3A, %reduce_sum3A [1] : vector<512x64xf32> to vector<512xf32>
    %broadcast_in_dim3A_7 = vector.shape_cast %reduce_sum3A_6 : vector<512xf32> to vector<512x1xf32>
    %div3A = vector.broadcast %broadcast_in_dim3A_7 : vector<512x1xf32> to vector<512x64xf32>
    %div3A_8 = arith.divf %exp3A, %div3A : vector<512x64xf32>
    %reduce_max3A_9 = arith.constant dense<0xFF800000> : vector<512xf32>
    %reduce_max3A_10 = vector.multi_reduction <maximumf>, %div3A_8, %reduce_max3A_9 [1] : vector<512x64xf32> to vector<512xf32>
    %broadcast_in_dim3A_11 = vector.shape_cast %reduce_max3A_10 : vector<512xf32> to vector<512x1xf32>
    %iota3A = tpu.iota {dimensions = array<i32: 1>} : vector<512x64xi32>
    %eq3A_12 = vector.broadcast %broadcast_in_dim3A_11 : vector<512x1xf32> to vector<512x64xf32>
    %eq3A_13 = arith.cmpf oeq, %div3A_8, %eq3A_12 : vector<512x64xf32>
    %jit3A = arith.constant 64 : i32
    %broadcast_in_dim3A_14 = vector.broadcast %jit3A : i32 to vector<512x64xi32>
    %select_n3A = arith.select %eq3A_13, %iota3A, %broadcast_in_dim3A_14 : vector<512x64xi1>, vector<512x64xi32>
    %reduce_min3A = arith.constant dense<2147483647> : vector<512xi32>
    %reduce_min3A_15 = vector.multi_reduction <minsi>, %select_n3A, %reduce_min3A [1] : vector<512x64xi32> to vector<512xi32>
    %broadcast_in_dim3A_16 = vector.shape_cast %reduce_min3A_15 : vector<512xi32> to vector<512x1xi32>
    %eq3A_17 = vector.broadcast %broadcast_in_dim3A_16 : vector<512x1xi32> to vector<512x64xi32>
    %eq3A_18 = arith.cmpi eq, %iota3A, %eq3A_17 : vector<512x64xi32>
    %convert_element_type3A_19 = arith.extui %eq3A_18 : vector<512x64xi1> to vector<512x64xi32>
    %convert_element_type3A_20 = arith.sitofp %convert_element_type3A_19 : vector<512x64xi32> to vector<512x64xf32>
    %get3A_21 = arith.constant 0 : index
    %get3A_22 = arith.constant 0 : index
    %get3A_23 = vector.load %arg2[%get3A_21, %get3A_22] : memref<512x512xf32, #tpu.memory_space<vmem>>, vector<512x512xf32>
    %dot_general3A = arith.constant dense<0.000000e+00> : vector<512x64xf32>
    %dot_general3A_24 = tpu.matmul %get3A_23, %convert_element_type3A_20, %dot_general3A {dimension_numbers = #tpu.dot_dimension_numbers<[1], [0], [0], [1], [0, 0, 1, 1], [], []>, transpose_lhs_hint = false} : vector<512x512xf32>, vector<512x64xf32>, vector<512x64xf32> -> vector<512x64xf32>
    %get3A_25 = arith.constant 0 : index
    %get3A_26 = arith.constant 0 : index
    %get3A_27 = vector.load %arg8[%get3A_25, %get3A_26] : memref<8x64xf32, #tpu.memory_space<vmem>>, vector<1x64xf32>
    %add3A = vector.broadcast %get3A_27 : vector<1x64xf32> to vector<512x64xf32>
    %add3A_28 = arith.addf %dot_general3A_24, %add3A : vector<512x64xf32>
    %mul3A = arith.mulf %convert_element_type3A_20, %add3A_28 : vector<512x64xf32>
    %reduce_sum3A_29 = arith.constant dense<0.000000e+00> : vector<512xf32>
    %reduce_sum3A_30 = vector.multi_reduction <add>, %mul3A, %reduce_sum3A_29 [1] : vector<512x64xf32> to vector<512xf32>
    %broadcast_in_dim3A_31 = vector.shape_cast %reduce_sum3A_30 : vector<512xf32> to vector<512x1xf32>
    %convert_element_type3A_32 = arith.fptosi %broadcast_in_dim3A_31 : vector<512x1xf32> to vector<512x1xi32>
    %lt3A = arith.constant 80 : i32
    %lt3A_33 = vector.broadcast %lt3A : i32 to vector<512x1xi32>
    %lt3A_34 = arith.cmpi slt, %convert_element_type3A_32, %lt3A_33 : vector<512x1xi32>
    %mul3A_35 = arith.constant 80 : i32
    %mul3A_36 = vector.broadcast %mul3A_35 : i32 to vector<512x1xi32>
    %mul3A_37 = arith.muli %broadcast_in_dim3A_16, %mul3A_36 : vector<512x1xi32>
    %add3A_38 = arith.addi %mul3A_37, %convert_element_type3A_32 : vector<512x1xi32>
    %jit3A_39 = arith.constant 5120 : i32
    %broadcast_in_dim3A_40 = vector.broadcast %jit3A_39 : i32 to vector<512x1xi32>
    %select_n3A_41 = arith.select %lt3A_34, %add3A_38, %broadcast_in_dim3A_40 : vector<512x1xi1>, vector<512x1xi32>
    %swap3A = arith.constant 0 : index
    %swap3A_42 = arith.constant 0 : index
    %swap3A_43 = vector.load %arg3[%swap3A, %swap3A_42] : memref<512x1xi32, #tpu.memory_space<vmem>>, vector<512x1xi32>
    tpu.vector_store %arg3[%swap3A, %swap3A_42], %select_n3A_41 {strides = array<i32>} : memref<512x1xi32, #tpu.memory_space<vmem>>, vector<512x1xi32>,
    %add3A_44 = arith.constant 9.99999971E-10 : f32
    %add3A_45 = vector.broadcast %add3A_44 : f32 to vector<512x1xf32>
    %add3A_46 = arith.addf %broadcast_in_dim3A_11, %add3A_45 : vector<512x1xf32>
    %div3A_47 = arith.divf %broadcast_in_dim3A_11, %add3A_46 : vector<512x1xf32>
    %jit3A_48 = arith.constant 0.000000e+00 : f32
    %broadcast_in_dim3A_49 = vector.broadcast %jit3A_48 : f32 to vector<512x1xf32>
    %select_n3A_50 = arith.select %lt3A_34, %div3A_47, %broadcast_in_dim3A_49 : vector<512x1xi1>, vector<512x1xf32>
    %broadcast_in_dim3A_51 = vector.shape_cast %select_n3A_50 : vector<512x1xf32> to vector<512x1xf32>
    %broadcast_in_dim3A_52 = vector.broadcast %broadcast_in_dim3A_51 : vector<512x1xf32> to vector<512x128xf32>
    %swap3A_53 = arith.constant 0 : index
    %swap3A_54 = arith.constant 0 : index
    %swap3A_55 = vector.load %arg4[%swap3A_53, %swap3A_54] : memref<512x128xf32, #tpu.memory_space<vmem>>, vector<512x128xf32>
    tpu.vector_store %arg4[%swap3A_53, %swap3A_54], %broadcast_in_dim3A_52 {strides = array<i32>} : memref<512x128xf32, #tpu.memory_space<vmem>>, vector<512x128xf32>,
    %get3A_56 = arith.constant 0 : index
    %get3A_57 = arith.constant 0 : index
    %get3A_58 = vector.load %arg8[%get3A_56, %get3A_57] : memref<8x64xf32, #tpu.memory_space<vmem>>, vector<8x64xf32>
    %reduce_sum3A_59 = arith.constant dense<0.000000e+00> : vector<64xf32>
    %reduce_sum3A_60 = vector.multi_reduction <add>, %convert_element_type3A_20, %reduce_sum3A_59 [0] : vector<512x64xf32> to vector<64xf32>
    %broadcast_in_dim3A_61 = vector.shape_cast %reduce_sum3A_60 : vector<64xf32> to vector<1x64xf32>
    %add3A_62 = vector.broadcast %broadcast_in_dim3A_61 : vector<1x64xf32> to vector<8x64xf32>
    %add3A_63 = arith.addf %get3A_58, %add3A_62 : vector<8x64xf32>
    %swap3A_64 = arith.constant 0 : index
    %swap3A_65 = arith.constant 0 : index
    %swap3A_66 = vector.load %arg8[%swap3A_64, %swap3A_65] : memref<8x64xf32, #tpu.memory_space<vmem>>, vector<8x64xf32>
    tpu.vector_store %arg8[%swap3A_64, %swap3A_65], %add3A_63 {strides = array<i32>} : memref<8x64xf32, #tpu.memory_space<vmem>>, vector<8x64xf32>,
    %get3A_67 = arith.constant 0 : index
    %get3A_68 = arith.constant 0 : index
    %get3A_69 = vector.load %arg9[%get3A_67, %get3A_68] : memref<8x64xf32, #tpu.memory_space<vmem>>, vector<8x64xf32>
    %reduce_sum3A_70 = arith.constant dense<0.000000e+00> : vector<64xf32>
    %reduce_sum3A_71 = vector.multi_reduction <add>, %div3A_8, %reduce_sum3A_70 [0] : vector<512x64xf32> to vector<64xf32>
    %broadcast_in_dim3A_72 = vector.shape_cast %reduce_sum3A_71 : vector<64xf32> to vector<1x64xf32>
    %add3A_73 = vector.broadcast %broadcast_in_dim3A_72 : vector<1x64xf32> to vector<8x64xf32>
    %add3A_74 = arith.addf %get3A_69, %add3A_73 : vector<8x64xf32>
    %swap3A_75 = arith.constant 0 : index
    %swap3A_76 = arith.constant 0 : index
    %swap3A_77 = vector.load %arg9[%swap3A_75, %swap3A_76] : memref<8x64xf32, #tpu.memory_space<vmem>>, vector<8x64xf32>
    tpu.vector_store %arg9[%swap3A_75, %swap3A_76], %add3A_74 {strides = array<i32>} : memref<8x64xf32, #tpu.memory_space<vmem>>, vector<8x64xf32>,
    %squeeze3A = vector.shape_cast %broadcast_in_dim3A : vector<512x1xf32> to vector<512xf32>
    %squeeze3A_78 = vector.shape_cast %broadcast_in_dim3A_7 : vector<512x1xf32> to vector<512xf32>
    %log3A = math.log %squeeze3A_78 : vector<512xf32>
    %add3A_79 = arith.addf %squeeze3A, %log3A : vector<512xf32>
    %get3A_80 = arith.constant 0 : index
    %get3A_81 = arith.constant 0 : index
    %get3A_82 = memref.load %arg10[%get3A_80, %get3A_81] : memref<1x1xf32, #tpu.memory_space<smem>>
    %mul3A_83 = arith.mulf %add3A_79, %add3A_79 : vector<512xf32>
    %reduce_sum3A_84 = vector.shape_cast %mul3A_83 : vector<512xf32> to vector<1x512xf32>
    %reduce_sum3A_85 = arith.constant dense<0.000000e+00> : vector<1xf32>
    %reduce_sum3A_86 = vector.multi_reduction <add>, %reduce_sum3A_84, %reduce_sum3A_85 [1] : vector<1x512xf32> to vector<1xf32>
    %reduce_sum3A_87 = vector.shape_cast %reduce_sum3A_86 : vector<1xf32> to vector<1x1xf32>
    %reduce_sum3A_88 = vector.extract %reduce_sum3A_87[0, 0] : f32 from vector<1x1xf32>
    %add3A_89 = arith.addf %get3A_82, %reduce_sum3A_88 : f32
    %swap3A_90 = arith.constant 0 : index
    %swap3A_91 = arith.constant 0 : index
    %swap3A_92 = memref.load %arg10[%swap3A_90, %swap3A_91] : memref<1x1xf32, #tpu.memory_space<smem>>
    memref.store %add3A_89, %arg10[%swap3A_90, %swap3A_91] : memref<1x1xf32, #tpu.memory_space<smem>>
    %eq3A_93 = arith.constant 7 : i32
    %eq3A_94 = arith.cmpi eq, %arg0, %eq3A_93 : i32
    %convert_element_type3A_95 = arith.extui %eq3A_94 : i1 to i32
    %cond3A_96 = arith.constant 0 : i32
    %cond3A_97 = arith.cmpi ne, %convert_element_type3A_95, %cond3A_96 : i32
    scf.if %cond3A_97 {
      %get3A_98 = arith.constant 0 : index
      %get3A_99 = arith.constant 0 : index
      %get3A_100 = vector.load %arg8[%get3A_98, %get3A_99] : memref<8x64xf32, #tpu.memory_space<vmem>>, vector<8x64xf32>
      %min3A = arith.constant 8.000000e+01 : f32
      %min3A_101 = vector.broadcast %min3A : f32 to vector<8x64xf32>
      %min3A_102 = arith.minimumf %get3A_100, %min3A_101 : vector<8x64xf32>
      %convert_element_type3A_103 = arith.fptosi %min3A_102 : vector<8x64xf32> to vector<8x64xi32>
      %swap3A_104 = arith.constant 0 : index
      %swap3A_105 = arith.constant 0 : index
      %swap3A_106 = vector.load %arg5[%swap3A_104, %swap3A_105] : memref<8x64xi32, #tpu.memory_space<vmem>>, vector<8x64xi32>
      tpu.vector_store %arg5[%swap3A_104, %swap3A_105], %convert_element_type3A_103 {strides = array<i32>} : memref<8x64xi32, #tpu.memory_space<vmem>>, vector<8x64xi32>,
      %get3A_107 = arith.constant 0 : index
      %get3A_108 = arith.constant 0 : index
      %get3A_109 = vector.load %arg9[%get3A_107, %get3A_108] : memref<8x64xf32, #tpu.memory_space<vmem>>, vector<8x64xf32>
      %swap3A_110 = arith.constant 0 : index
      %swap3A_111 = arith.constant 0 : index
      %swap3A_112 = vector.load %arg6[%swap3A_110, %swap3A_111] : memref<8x64xf32, #tpu.memory_space<vmem>>, vector<8x64xf32>
      tpu.vector_store %arg6[%swap3A_110, %swap3A_111], %get3A_109 {strides = array<i32>} : memref<8x64xf32, #tpu.memory_space<vmem>>, vector<8x64xf32>,
      %slice3A = vector.extract_strided_slice %get3A_109 {offsets = [0, 0], sizes = [1, 64], strides = [1, 1]} : vector<8x64xf32> to vector<1x64xf32>
      %slice3A_113 = vector.extract_strided_slice %get3A_109 {offsets = [0, 0], sizes = [1, 64], strides = [1, 1]} : vector<8x64xf32> to vector<1x64xf32>
      %reduce_sum3A_114 = vector.shape_cast %slice3A_113 : vector<1x64xf32> to vector<1x1x64xf32>
      %reduce_sum3A_115 = arith.constant dense<0.000000e+00> : vector<1xf32>
      %reduce_sum3A_116 = vector.multi_reduction <add>, %reduce_sum3A_114, %reduce_sum3A_115 [1, 2] : vector<1x1x64xf32> to vector<1xf32>
      %reduce_sum3A_117 = vector.shape_cast %reduce_sum3A_116 : vector<1xf32> to vector<1x1x1xf32>
      %reduce_sum3A_118 = vector.extract %reduce_sum3A_117[0, 0, 0] : f32 from vector<1x1x1xf32>
      %add3A_119 = arith.constant 9.99999971E-10 : f32
      %add3A_120 = arith.addf %reduce_sum3A_118, %add3A_119 : f32
      %div3A_121 = vector.broadcast %add3A_120 : f32 to vector<1x64xf32>
      %div3A_122 = arith.divf %slice3A, %div3A_121 : vector<1x64xf32>
      %slice3A_123 = vector.extract_strided_slice %min3A_102 {offsets = [0, 0], sizes = [1, 64], strides = [1, 1]} : vector<8x64xf32> to vector<1x64xf32>
      %slice3A_124 = vector.extract_strided_slice %min3A_102 {offsets = [0, 0], sizes = [1, 64], strides = [1, 1]} : vector<8x64xf32> to vector<1x64xf32>
      %reduce_sum3A_125 = vector.shape_cast %slice3A_124 : vector<1x64xf32> to vector<1x1x64xf32>
      %reduce_sum3A_126 = arith.constant dense<0.000000e+00> : vector<1xf32>
      %reduce_sum3A_127 = vector.multi_reduction <add>, %reduce_sum3A_125, %reduce_sum3A_126 [1, 2] : vector<1x1x64xf32> to vector<1xf32>
      %reduce_sum3A_128 = vector.shape_cast %reduce_sum3A_127 : vector<1xf32> to vector<1x1x1xf32>
      %reduce_sum3A_129 = vector.extract %reduce_sum3A_128[0, 0, 0] : f32 from vector<1x1x1xf32>
      %add3A_130 = arith.constant 9.99999971E-10 : f32
      %add3A_131 = arith.addf %reduce_sum3A_129, %add3A_130 : f32
      %div3A_132 = vector.broadcast %add3A_131 : f32 to vector<1x64xf32>
      %div3A_133 = arith.divf %slice3A_123, %div3A_132 : vector<1x64xf32>
      %mul3A_134 = arith.mulf %div3A_122, %div3A_133 : vector<1x64xf32>
      %reduce_sum3A_135 = vector.shape_cast %mul3A_134 : vector<1x64xf32> to vector<1x1x64xf32>
      %reduce_sum3A_136 = arith.constant dense<0.000000e+00> : vector<1xf32>
      %reduce_sum3A_137 = vector.multi_reduction <add>, %reduce_sum3A_135, %reduce_sum3A_136 [1, 2] : vector<1x1x64xf32> to vector<1xf32>
      %reduce_sum3A_138 = vector.shape_cast %reduce_sum3A_137 : vector<1xf32> to vector<1x1x1xf32>
      %reduce_sum3A_139 = vector.extract %reduce_sum3A_138[0, 0, 0] : f32 from vector<1x1x1xf32>
      %mul3A_140 = arith.constant 6.400000e+01 : f32
      %mul3A_141 = arith.mulf %mul3A_140, %reduce_sum3A_139 : f32
      %get3A_142 = arith.constant 0 : index
      %get3A_143 = arith.constant 0 : index
      %get3A_144 = memref.load %arg10[%get3A_142, %get3A_143] : memref<1x1xf32, #tpu.memory_space<smem>>
      %div3A_145 = arith.constant 4.096000e+03 : f32
      %div3A_146 = arith.divf %get3A_144, %div3A_145 : f32
      %mul3A_147 = arith.constant 0.00999999977 : f32
      %mul3A_148 = arith.mulf %mul3A_147, %mul3A_141 : f32
      %mul3A_149 = arith.constant 1.000000e-03 : f32
      %mul3A_150 = arith.mulf %mul3A_149, %div3A_146 : f32
      %add3A_151 = arith.addf %mul3A_148, %mul3A_150 : f32
      %broadcast_in_dim3A_152 = vector.broadcast %add3A_151 : f32 to vector<8x128xf32>
      %swap3A_153 = arith.constant 0 : index
      %swap3A_154 = arith.constant 0 : index
      %swap3A_155 = vector.load %arg7[%swap3A_153, %swap3A_154] : memref<8x128xf32, #tpu.memory_space<vmem>>, vector<8x128xf32>
      tpu.vector_store %arg7[%swap3A_153, %swap3A_154], %broadcast_in_dim3A_152 {strides = array<i32>} : memref<8x128xf32, #tpu.memory_space<vmem>>, vector<8x128xf32>,
    } else {
    }
    return
  }
  func.func @transform_0(%arg0: i32) -> (i32, i32) {
    %c0_i32 = arith.constant 0 : i32
    %c0_i32_0 = arith.constant 0 : i32
    return %arg0, %c0_i32 : i32, i32
  }
  func.func @transform_1(%arg0: i32) -> (i32, i32) {
    %c0_i32 = arith.constant 0 : i32
    %c0_i32_0 = arith.constant 0 : i32
    %c0_i32_1 = arith.constant 0 : i32
    return %c0_i32, %c0_i32_0 : i32, i32
  }
  func.func @transform_2(%arg0: i32) -> (i32, i32) {
    %c0_i32 = arith.constant 0 : i32
    %c0_i32_0 = arith.constant 0 : i32
    return %arg0, %c0_i32 : i32, i32
  }
  func.func @transform_3(%arg0: i32) -> (i32, i32) {
    %c0_i32 = arith.constant 0 : i32
    %c0_i32_0 = arith.constant 0 : i32
    return %arg0, %c0_i32 : i32, i32
  }
  func.func @transform_4(%arg0: i32) -> (i32, i32) {
    %c0_i32 = arith.constant 0 : i32
    %c0_i32_0 = arith.constant 0 : i32
    %c0_i32_1 = arith.constant 0 : i32
    return %c0_i32, %c0_i32_0 : i32, i32
  }
  func.func @transform_5(%arg0: i32) -> (i32, i32) {
    %c0_i32 = arith.constant 0 : i32
    %c0_i32_0 = arith.constant 0 : i32
    %c0_i32_1 = arith.constant 0 : i32
    return %c0_i32, %c0_i32_0 : i32, i32
  }
  func.func @transform_6(%arg0: i32) -> (i32, i32) {
    %c0_i32 = arith.constant 0 : i32
    %c0_i32_0 = arith.constant 0 : i32
    %c0_i32_1 = arith.constant 0 : i32
    return %c0_i32, %c0_i32_0 : i32, i32
  }
}

module attributes {stable_mosaic.version = 14 : i64} {
  func.func @_ffn_body(%arg0: i32, %arg1: memref<160x768xf32, #tpu.memory_space<vmem>>, %arg2: memref<2x768x1024xf32, #tpu.memory_space<vmem>>, %arg3: memref<2x1x1024xf32, #tpu.memory_space<vmem>>, %arg4: memref<2x1024x768xf32, #tpu.memory_space<vmem>>, %arg5: memref<2x1x768xf32, #tpu.memory_space<vmem>>, %arg6: memref<160x128xf32, #tpu.memory_space<vmem>>, %arg7: memref<160x768xf32, #tpu.memory_space<vmem>>) attributes {dimension_semantics = [#tpu.dimension_semantics<arbitrary>], iteration_bounds = array<i64: 33>, scalar_prefetch = 0 : i64, scratch_operands = 0 : i64, tpu.core_type = #tpu.core_type<tc>, window_params = [{transform_indices = @transform_0, window_bounds = array<i64: 160, 768>}, {transform_indices = @transform_1, window_bounds = array<i64: 2, 768, 1024>}, {transform_indices = @transform_2, window_bounds = array<i64: 2, 1, 1024>}, {transform_indices = @transform_3, window_bounds = array<i64: 2, 1024, 768>}, {transform_indices = @transform_4, window_bounds = array<i64: 2, 1, 768>}, {transform_indices = @transform_5, window_bounds = array<i64: 160, 128>}, {transform_indices = @transform_6, window_bounds = array<i64: 160, 768>}]} {
    %get3A = arith.constant 0 : index
    %get3A_0 = arith.constant 0 : index
    %get3A_1 = vector.load %arg6[%get3A, %get3A_0] : memref<160x128xf32, #tpu.memory_space<vmem>>, vector<160x128xf32>
    %slice3A = vector.extract_strided_slice %get3A_1 {offsets = [0, 0], sizes = [160, 1], strides = [1, 1]} : vector<160x128xf32> to vector<160x1xf32>
    %get3A_2 = arith.constant 0 : index
    %get3A_3 = arith.constant 0 : index
    %get3A_4 = vector.load %arg1[%get3A_2, %get3A_3] : memref<160x768xf32, #tpu.memory_space<vmem>>, vector<80x768xf32>
    %get3A_5 = arith.constant 0 : index
    %get3A_6 = arith.constant 0 : index
    %get3A_7 = arith.constant 0 : index
    %get3A_8 = vector.load %arg2[%get3A_5, %get3A_6, %get3A_7] : memref<2x768x1024xf32, #tpu.memory_space<vmem>>, vector<1x768x1024xf32>
    %get3A_9 = vector.shape_cast %get3A_8 : vector<1x768x1024xf32> to vector<768x1024xf32>
    %dot_general3A = arith.constant dense<0.000000e+00> : vector<80x1024xf32>
    %dot_general3A_10 = tpu.matmul %get3A_4, %get3A_9, %dot_general3A {dimension_numbers = #tpu.dot_dimension_numbers<[1], [0], [0], [1], [0, 0, 1, 1], [], []>, transpose_lhs_hint = false} : vector<80x768xf32>, vector<768x1024xf32>, vector<80x1024xf32> -> vector<80x1024xf32>
    %get3A_11 = arith.constant 0 : index
    %get3A_12 = arith.constant 0 : index
    %get3A_13 = arith.constant 0 : index
    %get3A_14 = vector.load %arg3[%get3A_11, %get3A_12, %get3A_13] : memref<2x1x1024xf32, #tpu.memory_space<vmem>>, vector<1x1x1024xf32>
    %get3A_15 = vector.shape_cast %get3A_14 : vector<1x1x1024xf32> to vector<1x1024xf32>
    %add3A = vector.broadcast %get3A_15 : vector<1x1024xf32> to vector<80x1024xf32>
    %add3A_16 = arith.addf %dot_general3A_10, %add3A : vector<80x1024xf32>
    %mul3A = arith.constant 5.000000e-01 : f32
    %mul3A_17 = vector.broadcast %mul3A : f32 to vector<80x1024xf32>
    %mul3A_18 = arith.mulf %mul3A_17, %add3A_16 : vector<80x1024xf32>
    %mul3A_19 = arith.constant 0.707106769 : f32
    %mul3A_20 = vector.broadcast %mul3A_19 : f32 to vector<80x1024xf32>
    %mul3A_21 = arith.mulf %add3A_16, %mul3A_20 : vector<80x1024xf32>
    %erf3A = math.erf %mul3A_21 : vector<80x1024xf32>
    %add3A_22 = arith.constant 1.000000e+00 : f32
    %add3A_23 = vector.broadcast %add3A_22 : f32 to vector<80x1024xf32>
    %add3A_24 = arith.addf %add3A_23, %erf3A : vector<80x1024xf32>
    %mul3A_25 = arith.mulf %mul3A_18, %add3A_24 : vector<80x1024xf32>
    %get3A_26 = arith.constant 0 : index
    %get3A_27 = arith.constant 0 : index
    %get3A_28 = arith.constant 0 : index
    %get3A_29 = vector.load %arg4[%get3A_26, %get3A_27, %get3A_28] : memref<2x1024x768xf32, #tpu.memory_space<vmem>>, vector<1x1024x768xf32>
    %get3A_30 = vector.shape_cast %get3A_29 : vector<1x1024x768xf32> to vector<1024x768xf32>
    %dot_general3A_31 = arith.constant dense<0.000000e+00> : vector<80x768xf32>
    %dot_general3A_32 = tpu.matmul %mul3A_25, %get3A_30, %dot_general3A_31 {dimension_numbers = #tpu.dot_dimension_numbers<[1], [0], [0], [1], [0, 0, 1, 1], [], []>, transpose_lhs_hint = false} : vector<80x1024xf32>, vector<1024x768xf32>, vector<80x768xf32> -> vector<80x768xf32>
    %get3A_33 = arith.constant 0 : index
    %get3A_34 = arith.constant 0 : index
    %get3A_35 = arith.constant 0 : index
    %get3A_36 = vector.load %arg5[%get3A_33, %get3A_34, %get3A_35] : memref<2x1x768xf32, #tpu.memory_space<vmem>>, vector<1x1x768xf32>
    %get3A_37 = vector.shape_cast %get3A_36 : vector<1x1x768xf32> to vector<1x768xf32>
    %add3A_38 = vector.broadcast %get3A_37 : vector<1x768xf32> to vector<80x768xf32>
    %add3A_39 = arith.addf %dot_general3A_32, %add3A_38 : vector<80x768xf32>
    %slice3A_40 = vector.extract_strided_slice %slice3A {offsets = [0, 0], sizes = [80, 1], strides = [1, 1]} : vector<160x1xf32> to vector<80x1xf32>
    %gt3A = arith.constant 0.000000e+00 : f32
    %gt3A_41 = vector.broadcast %gt3A : f32 to vector<80x1xf32>
    %gt3A_42 = arith.cmpf ogt, %slice3A_40, %gt3A_41 : vector<80x1xf32>
    %slice3A_43 = vector.extract_strided_slice %slice3A {offsets = [0, 0], sizes = [80, 1], strides = [1, 1]} : vector<160x1xf32> to vector<80x1xf32>
    %mul3A_44 = vector.broadcast %slice3A_43 : vector<80x1xf32> to vector<80x768xf32>
    %mul3A_45 = arith.mulf %add3A_39, %mul3A_44 : vector<80x768xf32>
    %jit3A = arith.constant 0.000000e+00 : f32
    %broadcast_in_dim3A = vector.shape_cast %gt3A_42 : vector<80x1xi1> to vector<80x1xi1>
    %broadcast_in_dim3A_46 = vector.broadcast %broadcast_in_dim3A : vector<80x1xi1> to vector<80x768xi1>
    %broadcast_in_dim3A_47 = vector.broadcast %jit3A : f32 to vector<80x768xf32>
    %select_n3A = arith.select %broadcast_in_dim3A_46, %mul3A_45, %broadcast_in_dim3A_47 : vector<80x768xi1>, vector<80x768xf32>
    %swap3A = arith.constant 0 : index
    %swap3A_48 = arith.constant 0 : index
    %swap3A_49 = vector.load %arg7[%swap3A, %swap3A_48] : memref<160x768xf32, #tpu.memory_space<vmem>>, vector<80x768xf32>
    tpu.vector_store %arg7[%swap3A, %swap3A_48], %select_n3A {strides = array<i32>} : memref<160x768xf32, #tpu.memory_space<vmem>>, vector<80x768xf32>,
    %get3A_50 = arith.constant 80 : index
    %get3A_51 = arith.constant 0 : index
    %get3A_52 = vector.load %arg1[%get3A_50, %get3A_51] : memref<160x768xf32, #tpu.memory_space<vmem>>, vector<80x768xf32>
    %get3A_53 = arith.constant 1 : index
    %get3A_54 = arith.constant 0 : index
    %get3A_55 = arith.constant 0 : index
    %get3A_56 = vector.load %arg2[%get3A_53, %get3A_54, %get3A_55] : memref<2x768x1024xf32, #tpu.memory_space<vmem>>, vector<1x768x1024xf32>
    %get3A_57 = vector.shape_cast %get3A_56 : vector<1x768x1024xf32> to vector<768x1024xf32>
    %dot_general3A_58 = arith.constant dense<0.000000e+00> : vector<80x1024xf32>
    %dot_general3A_59 = tpu.matmul %get3A_52, %get3A_57, %dot_general3A_58 {dimension_numbers = #tpu.dot_dimension_numbers<[1], [0], [0], [1], [0, 0, 1, 1], [], []>, transpose_lhs_hint = false} : vector<80x768xf32>, vector<768x1024xf32>, vector<80x1024xf32> -> vector<80x1024xf32>
    %get3A_60 = arith.constant 1 : index
    %get3A_61 = arith.constant 0 : index
    %get3A_62 = arith.constant 0 : index
    %get3A_63 = vector.load %arg3[%get3A_60, %get3A_61, %get3A_62] : memref<2x1x1024xf32, #tpu.memory_space<vmem>>, vector<1x1x1024xf32>
    %get3A_64 = vector.shape_cast %get3A_63 : vector<1x1x1024xf32> to vector<1x1024xf32>
    %add3A_65 = vector.broadcast %get3A_64 : vector<1x1024xf32> to vector<80x1024xf32>
    %add3A_66 = arith.addf %dot_general3A_59, %add3A_65 : vector<80x1024xf32>
    %mul3A_67 = arith.constant 5.000000e-01 : f32
    %mul3A_68 = vector.broadcast %mul3A_67 : f32 to vector<80x1024xf32>
    %mul3A_69 = arith.mulf %mul3A_68, %add3A_66 : vector<80x1024xf32>
    %mul3A_70 = arith.constant 0.707106769 : f32
    %mul3A_71 = vector.broadcast %mul3A_70 : f32 to vector<80x1024xf32>
    %mul3A_72 = arith.mulf %add3A_66, %mul3A_71 : vector<80x1024xf32>
    %erf3A_73 = math.erf %mul3A_72 : vector<80x1024xf32>
    %add3A_74 = arith.constant 1.000000e+00 : f32
    %add3A_75 = vector.broadcast %add3A_74 : f32 to vector<80x1024xf32>
    %add3A_76 = arith.addf %add3A_75, %erf3A_73 : vector<80x1024xf32>
    %mul3A_77 = arith.mulf %mul3A_69, %add3A_76 : vector<80x1024xf32>
    %get3A_78 = arith.constant 1 : index
    %get3A_79 = arith.constant 0 : index
    %get3A_80 = arith.constant 0 : index
    %get3A_81 = vector.load %arg4[%get3A_78, %get3A_79, %get3A_80] : memref<2x1024x768xf32, #tpu.memory_space<vmem>>, vector<1x1024x768xf32>
    %get3A_82 = vector.shape_cast %get3A_81 : vector<1x1024x768xf32> to vector<1024x768xf32>
    %dot_general3A_83 = arith.constant dense<0.000000e+00> : vector<80x768xf32>
    %dot_general3A_84 = tpu.matmul %mul3A_77, %get3A_82, %dot_general3A_83 {dimension_numbers = #tpu.dot_dimension_numbers<[1], [0], [0], [1], [0, 0, 1, 1], [], []>, transpose_lhs_hint = false} : vector<80x1024xf32>, vector<1024x768xf32>, vector<80x768xf32> -> vector<80x768xf32>
    %get3A_85 = arith.constant 1 : index
    %get3A_86 = arith.constant 0 : index
    %get3A_87 = arith.constant 0 : index
    %get3A_88 = vector.load %arg5[%get3A_85, %get3A_86, %get3A_87] : memref<2x1x768xf32, #tpu.memory_space<vmem>>, vector<1x1x768xf32>
    %get3A_89 = vector.shape_cast %get3A_88 : vector<1x1x768xf32> to vector<1x768xf32>
    %add3A_90 = vector.broadcast %get3A_89 : vector<1x768xf32> to vector<80x768xf32>
    %add3A_91 = arith.addf %dot_general3A_84, %add3A_90 : vector<80x768xf32>
    %slice3A_92 = vector.extract_strided_slice %slice3A {offsets = [80, 0], sizes = [80, 1], strides = [1, 1]} : vector<160x1xf32> to vector<80x1xf32>
    %gt3A_93 = arith.constant 0.000000e+00 : f32
    %gt3A_94 = vector.broadcast %gt3A_93 : f32 to vector<80x1xf32>
    %gt3A_95 = arith.cmpf ogt, %slice3A_92, %gt3A_94 : vector<80x1xf32>
    %slice3A_96 = vector.extract_strided_slice %slice3A {offsets = [80, 0], sizes = [80, 1], strides = [1, 1]} : vector<160x1xf32> to vector<80x1xf32>
    %mul3A_97 = vector.broadcast %slice3A_96 : vector<80x1xf32> to vector<80x768xf32>
    %mul3A_98 = arith.mulf %add3A_91, %mul3A_97 : vector<80x768xf32>
    %jit3A_99 = arith.constant 0.000000e+00 : f32
    %broadcast_in_dim3A_100 = vector.shape_cast %gt3A_95 : vector<80x1xi1> to vector<80x1xi1>
    %broadcast_in_dim3A_101 = vector.broadcast %broadcast_in_dim3A_100 : vector<80x1xi1> to vector<80x768xi1>
    %broadcast_in_dim3A_102 = vector.broadcast %jit3A_99 : f32 to vector<80x768xf32>
    %select_n3A_103 = arith.select %broadcast_in_dim3A_101, %mul3A_98, %broadcast_in_dim3A_102 : vector<80x768xi1>, vector<80x768xf32>
    %swap3A_104 = arith.constant 80 : index
    %swap3A_105 = arith.constant 0 : index
    %swap3A_106 = vector.load %arg7[%swap3A_104, %swap3A_105] : memref<160x768xf32, #tpu.memory_space<vmem>>, vector<80x768xf32>
    tpu.vector_store %arg7[%swap3A_104, %swap3A_105], %select_n3A_103 {strides = array<i32>} : memref<160x768xf32, #tpu.memory_space<vmem>>, vector<80x768xf32>,
    return
  }
  func.func @transform_0(%arg0: i32) -> (i32, i32) {
    %c0_i32 = arith.constant 0 : i32
    %c0_i32_0 = arith.constant 0 : i32
    return %arg0, %c0_i32 : i32, i32
  }
  func.func @transform_1(%arg0: i32) -> (i32, i32, i32) {
    %min3A = arith.constant 31 : i32
    %min3A_0 = arith.minsi %arg0, %min3A : i32
    %c0_i32 = arith.constant 0 : i32
    %c0_i32_1 = arith.constant 0 : i32
    %c0_i32_2 = arith.constant 0 : i32
    return %min3A_0, %c0_i32, %c0_i32_1 : i32, i32, i32
  }
  func.func @transform_2(%arg0: i32) -> (i32, i32, i32) {
    %min3A = arith.constant 31 : i32
    %min3A_0 = arith.minsi %arg0, %min3A : i32
    %c0_i32 = arith.constant 0 : i32
    %c0_i32_1 = arith.constant 0 : i32
    %c0_i32_2 = arith.constant 0 : i32
    return %min3A_0, %c0_i32, %c0_i32_1 : i32, i32, i32
  }
  func.func @transform_3(%arg0: i32) -> (i32, i32, i32) {
    %min3A = arith.constant 31 : i32
    %min3A_0 = arith.minsi %arg0, %min3A : i32
    %c0_i32 = arith.constant 0 : i32
    %c0_i32_1 = arith.constant 0 : i32
    %c0_i32_2 = arith.constant 0 : i32
    return %min3A_0, %c0_i32, %c0_i32_1 : i32, i32, i32
  }
  func.func @transform_4(%arg0: i32) -> (i32, i32, i32) {
    %min3A = arith.constant 31 : i32
    %min3A_0 = arith.minsi %arg0, %min3A : i32
    %c0_i32 = arith.constant 0 : i32
    %c0_i32_1 = arith.constant 0 : i32
    %c0_i32_2 = arith.constant 0 : i32
    return %min3A_0, %c0_i32, %c0_i32_1 : i32, i32, i32
  }
  func.func @transform_5(%arg0: i32) -> (i32, i32) {
    %c0_i32 = arith.constant 0 : i32
    %c0_i32_0 = arith.constant 0 : i32
    return %arg0, %c0_i32 : i32, i32
  }
  func.func @transform_6(%arg0: i32) -> (i32, i32) {
    %c0_i32 = arith.constant 0 : i32
    %c0_i32_0 = arith.constant 0 : i32
    return %arg0, %c0_i32 : i32, i32
  }
}

</mosaic_0001>

<sc_bundles>
// kernel: kernel.6.cloned.1.call-start
scs
__scs_entry_jumppad:
0x0: {  	(pc) =	sbr.rel $0x88, $3  }
0x1: {  	(tag) =	ssettag $0x0;
	lr =	simm.s32 $0x1  }
0x2: {  	[smem:$0x3F9B] =	sst lr;
	_ =	strace $0xD0000000  }
0x3: {  	_ = 	snop  }
0x4: {  	_ = 	snop  }
0x5: {  	_ = 	snop  }
0x6: {  	_ = 	snop  }
0x7: {  	_ = 	snop  }
__scs_overlays_trampoline_lowered:
0x8: {  	[smem:$0x3FAA] =	sst s0  }
0x9: {  	[smem:$0x3FAB] =	sst s1  }
0xa: {  	[smem:$0x3FAC] =	sst s2  }
0xb: {  	[smem:$0x3FAD] =	sst s3  }
0xc: {  	[smem:$0x3FAE] =	sst s4  }
0xd: {  	[smem:$0x3FAF] =	sst s5  }
0xe: {  	[smem:$0x3FB0] =	sst s6  }
0xf: {  	[smem:$0x3FB1] =	sst s7  }
0x10: {  	[smem:$0x3FB2] =	sst s8  }
0x11: {  	[smem:$0x3FB3] =	sst s9;
	s0 =	simm.s32 @!p0 $0x0  }
0x12: {  	s1 =	sld [smem:$0x3F99];
	s0 =	simm.s32 @p0 $0x1  }
0x13: {  	[smem:$0x3FB4] =	sst s0;
	s0 =	simm.s32 @!p1 $0x0  }
0x14: {  	s2 =	sld [smem:$0x3F98];
	s0 =	simm.s32 @p1 $0x1  }
0x15: {  	[smem:$0x3FB5] =	sst s0;
	s0 =	simm.s32 @!p2 $0x0  }
0x16: {  	s3 =	sld [smem:$0x3FDB];
	s0 =	simm.s32 @p2 $0x1  }
0x17: {  	s4 =	simm.s32 $0x1BF5;
	[smem:$0x3FB7] =	sst s0  }
0x18: {  	s0 =	sld [smem:$0x3F9A];
	_ =	swait.ge [sflag:s4], $0x0  }
0x19: {  	s7 =	sld [smem:$0x3F9B]  }
0x1a: {  	s8 =	sadd.s32 $0xFFFFE003, lr  }
0x1b: {  	s9 =	sadd.s32 $0xFFFFFEF7, lr;
	s5 =	simm.s32 $0xFFFFFFFF;
	p2 =	slt.u32 s8, $0xFFFFF086  }
0x1c: {  	p1 =	slt.u32 s9, $0xF7A;
	s5 =	simm.s32 @!p2 $0x0  }
0x1d: {  	s5 =	simm.s32 @p1 $0x1;
	p0 =	seq.s32 s7, s2  }
0x1e: {  	s7 =	smul.u32 @!p0 $0xF7A, s2;
	p2 =	seq.s32 @!p0 s5, $0x0  }
0x1f: {  	s9 =	smul.u32 $0xF7A, s1;
	s8 =	simm.s32 @!p0 $0x1BF5;
	p2 =	por !p2, p0  }
0x20: {  	[sflag:s8] =	ssyncset.s32 @!p0 $0xFFFFF086;
	s6 =	sadd.s32 @!p0 s3, s7;
	s7 =	simm.s32 @!p0 $0x108  }
0x21: {  	s3 =	sadd.s32 s3, s9;
	s6 =	sadd.s32 @!p0 $0x88, s6;
	s7 =	simm.s32 @p2 $0x1082  }
0x22: {  	[simem:s7], [sflag:s8] =	dma.local @!p0 [hbm:s6], $0xF7A  }
0x23: {  	s9 =	sor.u32 $0xD0000000, s2;
	s6 =	simm.s32 $0x108;
	_ =	swait.ge @!p0 [sflag:s8], $0x0  }
0x24: {  	s3 =	sadd.s32 $0x88, s3;
	s6 =	simm.s32 @!p1 $0x1082;
	[sflag:s4] =	ssyncset.s32 $0xFFFFF086  }
0x25: {  	[simem:s6], [sflag:s4] =	dma.local [hbm:s3], $0xF7A  }
0x26: {  	[smem:$0x3F9B] =	sst s1;
	(tag) =	ssettag s2;
	_ =	strace s9  }
0x27: {  	s1 =	sld [smem:$0x3FAB]  }
0x28: {  	s2 =	sld [smem:$0x3FAC]  }
0x29: {  	s4 =	sld [smem:$0x3FAE]  }
0x2a: {  	p0 =	seq.s32 s5, $0x0;
	s5 =	sld [smem:$0x3FAF]  }
0x2b: {  	s6 =	sld [smem:$0x3FB0]  }
0x2c: {  	s7 =	sld [smem:$0x3FB1]  }
0x2d: {  	s3 =	simm.s32 $0x108;
	s8 =	sld [smem:$0x3FB2]  }
0x2e: {  	s3 =	simm.s32 @!p0 $0x1082;
	s9 =	sld [smem:$0x3FB3]  }
0x2f: {  	lr =	sadd.s32 s0, s3;
	s0 =	sld [smem:$0x3FAA]  }
0x30: {  	s3 =	sld [smem:$0x3FAD]  }
0x31: {  	[smem:$0x3FB6] =	sst s10  }
0x32: {  	s10 =	sld [smem:$0x3FB4];
	_ =	sdelay $0x3  }
0x33: {  	p0 =	seq.s32 s10, $0x1;
	s10 =	sld [smem:$0x3FB6];
	_ =	sdelay $0x3  }
0x34: {  	[smem:$0x3FB6] =	sst s10  }
0x35: {  	s10 =	sld [smem:$0x3FB5];
	_ =	sdelay $0x3  }
0x36: {  	p1 =	seq.s32 s10, $0x1;
	s10 =	sld [smem:$0x3FB6];
	_ =	sdelay $0x3  }
0x37: {  	[smem:$0x3FB6] =	sst s10  }
0x38: {  	s10 =	sld [smem:$0x3FB7]  }
0x39: {  	_ = 	snop;
	(pc) =	sbr.ind lr, $3  }
0x3a: {  	_ = 	snop  }
0x3b: {  	_ = 	snop  }
0x3c: {  	p2 =	seq.s32 s10, $0x1;
	s10 =	sld [smem:$0x3FB6]  }
0x3d: {  	_ =	shalt  }
0x3e: {  	_ =	shalt  }
0x3f: {  	_ =	shalt  }
0x40: {  	_ =	shalt  }
0x41: {  	_ =	shalt  }
0x42: {  	_ =	shalt  }
0x43: {  	_ =	shalt  }
0x44: {  	_ =	shalt  }
0x45: {  	_ =	shalt  }
0x46: {  	_ =	shalt  }
0x47: {  	_ =	shalt  }
0x48: {  	_ =	shalt  }
0x49: {  	_ =	shalt  }
0x4a: {  	_ =	shalt  }
0x4b: {  	_ =	shalt  }
0x4c: {  	_ =	shalt  }
0x4d: {  	_ =	shalt  }
0x4e: {  	_ =	shalt  }
0x4f: {  	_ =	shalt  }
0x50: {  	_ =	shalt  }
0x51: {  	_ =	shalt  }
0x52: {  	_ =	shalt  }
0x53: {  	_ =	shalt  }
0x54: {  	_ =	shalt  }
0x55: {  	_ =	shalt  }
0x56: {  	_ =	shalt  }
0x57: {  	_ =	shalt  }
0x58: {  	_ =	shalt  }
0x59: {  	_ =	shalt  }
0x5a: {  	_ =	shalt  }
0x5b: {  	_ =	shalt  }
0x5c: {  	_ =	shalt  }
0x5d: {  	_ =	shalt  }
0x5e: {  	_ =	shalt  }
0x5f: {  	_ =	shalt  }
0x60: {  	_ =	shalt  }
0x61: {  	_ =	shalt  }
0x62: {  	_ =	shalt  }
0x63: {  	_ =	shalt  }
0x64: {  	_ =	shalt  }
0x65: {  	_ =	shalt  }
0x66: {  	_ =	shalt  }
0x67: {  	_ =	shalt  }
0x68: {  	_ =	shalt  }
0x69: {  	_ =	shalt  }
0x6a: {  	_ =	shalt  }
0x6b: {  	_ =	shalt  }
0x6c: {  	_ =	shalt  }
0x6d: {  	_ =	shalt  }
0x6e: {  	_ =	shalt  }
0x6f: {  	_ =	shalt  }
0x70: {  	_ =	shalt  }
0x71: {  	_ =	shalt  }
0x72: {  	_ =	shalt  }
0x73: {  	_ =	shalt  }
0x74: {  	_ =	shalt  }
0x75: {  	_ =	shalt  }
0x76: {  	_ =	shalt  }
0x77: {  	_ =	shalt  }
0x78: {  	_ =	shalt  }
0x79: {  	_ =	shalt  }
0x7a: {  	_ =	shalt  }
0x7b: {  	_ =	shalt  }
0x7c: {  	_ =	shalt  }
0x7d: {  	_ =	shalt  }
0x7e: {  	_ =	shalt  }
0x7f: {  	_ =	shalt  }
0x80: {  	_ =	shalt  }
0x81: {  	_ =	shalt  }
0x82: {  	_ =	shalt  }
0x83: {  	_ =	shalt  }
0x84: {  	_ =	shalt  }
0x85: {  	_ =	shalt  }
0x86: {  	_ =	shalt  }
0x87: {  	_ =	shalt  }
.Lfunc_end0:
.L_simem_size_0:
called_computation_lowered:
.L_overlay_start_0:
0x88: {  	s2 =	sld [smem:$0x3FD9]  }
0x89: {  	s3 =	sld [smem:$0x3FFE];
	_ =	sdelay $0x1  }
0x8a: {  	s1 =	srdreg.scid  }
0x8b: {  	s0 =	sand.u32 $0x1, s1  }
0x8c: {  	s14 =	sshll.u32 s0, $0xA;
	s2 =	sadd.s32 s3, s2  }
0x8d: {  	s2 =	sadd.s32 s2, s14  }
0x8e: {  	[smem:$0x3FC2] =	sst s2  }
0x8f: {  	_ = 	snop  }
0x90: {  	s2 =	sld [smem:$0x3FD0];
	_ =	sdelay $0x2  }
0x91: {  	s4 =	simm.s32 $0xA;
	s5 =	simm.s32 $0x10;
	s15 =	sld [smem:$0x3FC9]  }
0x92: {  	[smem:s5], [sflag:s4] =	dma.local [hbm:s2], $0x1  }
0x93: {  	_ =	swait.eq [sflag:s4], $0x1  }
0x94: {  	[sflag:s4] =	ssyncset.done $0x0  }
0x95: {  	[sflag:s4] =	ssyncadd.s32 $0xFFFFFFFF  }
0x96: {  	s16 =	sld [smem:$0x10];
	(tm) =	ssettm $0x1  }
0x97: {  	s17 =	sld [smem:$0x3FFB];
	_ =	sdelay $0x3  }
0x98: {  	_ =	strace s17  }
0x99: {  	s4 =	sld [smem:$0x3FFC];
	_ =	sdelay $0x3  }
0x9a: {  	_ =	strace s4  }
0x9b: {  	s4 =	sld [smem:$0x3FFD];
	_ =	sdelay $0x3  }
0x9c: {  	_ =	strace s4  }
0x9d: {  	_ =	strace $0x8FFFFFFF  }
0x9e: {  	s18 =	sld [smem:$0x3FDB];
	_ =	sdelay $0x1  }
0x9f: {  	s19 =	simm.s32 $_scs_section_size  }
0xa0: {  	s6 =	simm.s32 $_size__tile_overlayer_lowered;
	s7 =	simm.s32 $_tile_overlayer_lowered  }
0xa1: {  	s22 =	simm.s32 $0x1BFF;
	s21 =	sshll.u32 s7, $0x1;
	s4 =	sadd.s32 s19, s18  }
0xa2: {  	s8 =	simm.s32 $0x0;
	s20 =	sshll.u32 s6, $0x1;
	s6 =	sadd.s32 s21, s4  }
0xa3: {  	[timem:s8], [sflag:s22] =	dma.local [hbm:s6], s20  }
0xa4: {  	_ =	swait.ge [sflag:s22], s20  }
0xa5: {  	s5 =	ssub.s32 $0x0, s20;
	[sflag:s22] =	ssyncset.done $0x0  }
0xa6: {  	[sflag:s22] =	ssyncadd.s32 s5;
	_ =	sdelay $0x1  }
0xa7: {  	s23 =	simm.s32 $0x1B8B  }
0xa8: {  	_ =	swait.ge [sflag:s23], $0x1  }
0xa9: {  	[sflag:s23] =	ssyncset.done $0x0  }
0xaa: {  	s25 =	simm.s32 $0x1B8E;
	s24 =	sld [smem:$0x3FFE];
	[sflag:s23] =	ssyncadd.s32 $0xFFFFFFFF  }
0xab: {  	s26 =	simm.s32 $execute0_lowered;
	[smem:$0x3FD2] =	sst s25  }
0xac: {  	s6 =	sshll.u32 s26, $0x1;
	_ =	strace $0x80000046;
	[dreg:$0x1] =	wrdreg $0xFFFFFFFF  }
0xad: {  	s28 =	simm.s32 $_size_execute0_lowered;
	s4 =	sadd.s32 s4, s6;
	[dreg:$0x0] =	wrdreg $0x0  }
0xae: {  	s6 =	sshll.u32 s28, $0x1;
	[dreg:$0x2] =	wrdreg s4  }
0xaf: {  	[dreg:$0x3] =	wrdreg s6  }
0xb0: {  	[dreg:$0x4] =	wrdreg $0xC0  }
0xb1: {  	_ =	task [dreg:s8], $0x5FFFF  }
0xb2: {  	[dreg:$0x1] =	wrdreg $0xFFFFFFFF  }
0xb3: {  	[dreg:$0x0] =	wrdreg $0x60  }
0xb4: {  	[dreg:$0x2] =	wrdreg s15  }
0xb5: {  	[dreg:$0x3] =	wrdreg s24  }
0xb6: {  	[dreg:$0x4] =	wrdreg s16  }
0xb7: {  	[dreg:$0x5] =	wrdreg $0x9  }
0xb8: {  	_ =	task.clear_ibuf [dreg:s8], $0x6FFFF;
	_ =	strace $0x90000046  }
0xb9: {  	s29 =	simm.s32 $0x9;
	_ =	strace $0x80000048  }
0xba: {  	_ =	swait.ge [sflag:s29], $0x1  }
0xbb: {  	[sflag:s29] =	ssyncadd.s32 $0xFFFFFFFF  }
0xbc: {  	_ =	strace $0x90000048  }
0xbd: {  	_ =	sfence  }
0xbe: {  	s30 =	sld [smem:$0x0];
	_ =	sdelay $0x2  }
0xbf: {  	s31 =	sshll.u32 s1, $0xD;
	s1 =	sshrl.u32 s1, $0x2  }
0xc0: {  	s3 =	sand.u32 $0x4000, s31;
	s1 =	sadd.s32 s1, s30  }
0xc1: {  	s0 =	sor.u32 s3, s0;
	s1 =	sshll.u32 s1, $0x11  }
0xc2: {  	s0 =	sor.u32 s1, s0  }
0xc3: {  	s0 =	sadd.s32 $0x8F2B, s0  }
0xc4: {  	[sflag:s0] =	ssyncadd.remote.s32 $0x1  }
0xc5: {  	_ =	sfence.sel $0xFFFF  }
0xc6: {  	[dreg:$0x0] =	wrdreg $0xFFFFFFFF;
	(pc) =	sbr.abs _section_cstart, $3  }
0xc7: {  	[dreg:$0x1] =	wrdreg $0xFFFFFFFF  }
0xc8: {  	_ =	task.clear_ibuf [dreg:s8], $0x2FFFF;
	_ =	strace $0x9FFFFFFF  }
0xc9: {  	(tm) =	ssettm $0x7FFFFFFF  }
tec
execute0_lowered:
.L_overlay_start_1:
0x0: {  	(tag) =	ssettag $0x1  }
0x1: {  	s3 =	rddreg [dreg:$0x0]  }
0x2: {  	s1 =	rddreg [dreg:$0x1]  }
0x3: {  	s2 =	srdreg.scid;
	s20 =	rddreg [dreg:$0x2]  }
0x4: {  	s4 =	sand.u32 $0x1, s2;
	[dreg:$0x4] =	wrdreg s20;
	s2 =	simm.s32 $0x0  }
0x5: {  	s22 =	simm.s32 $0x880;
	[smem:$0x7FF] =	sst s2  }
0x6: {  	s23 =	simm.s32 $0x1080;
	_ =	strace $0x80000047;
	[dreg:$0x8] =	wrdreg s22  }
0x7: {  	s24 =	simm.s32 $0x1880;
	[dreg:$0x9] =	wrdreg s23  }
0x8: {  	s25 =	simm.s32 $0x2080;
	[dreg:$0xa] =	wrdreg s24  }
0x9: {  	s0 =	stileid.u32;
	s26 =	simm.s32 $0x2880;
	[dreg:$0xb] =	wrdreg s25  }
0xa: {  	s5 =	sshll.u32 s0, $0x8;
	s0 =	simm.s32 $0x3080;
	[dreg:$0xc] =	wrdreg s26  }
0xb: {  	s8 =	simm.s32 $0x5080;
	[dreg:$0xd] =	wrdreg s0  }
0xc: {  	s9 =	simm.s32 $0x5880;
	[dreg:$0x11] =	wrdreg s8  }
0xd: {  	s10 =	simm.s32 $0x6080;
	[dreg:$0x12] =	wrdreg s9  }
0xe: {  	s11 =	simm.s32 $0x6880;
	[dreg:$0x13] =	wrdreg s10  }
0xf: {  	s12 =	simm.s32 $0x7080;
	[dreg:$0x14] =	wrdreg s11  }
0x10: {  	s13 =	simm.s32 $0x7880;
	[dreg:$0x15] =	wrdreg s12  }
0x11: {  	s14 =	simm.s32 $0x8080;
	s15 =	simm.s32 $0x8880;
	[dreg:$0x16] =	wrdreg s13  }
0x12: {  	s16 =	simm.s32 $0x9080;
	s17 =	simm.s32 $0x9880;
	[dreg:$0x17] =	wrdreg s14  }
0x13: {  	s18 =	simm.s32 $0xA080;
	s28 =	simm.s32 $0x16880;
	[dreg:$0x18] =	wrdreg s15  }
0x14: {  	s29 =	simm.s32 $0x17080;
	s30 =	simm.s32 $0x17880;
	[dreg:$0x19] =	wrdreg s16  }
0x15: {  	s31 =	simm.s32 $0x1;
	s20 =	simm.s32 $0xA880;
	[dreg:$0x1a] =	wrdreg s17  }
0x16: {  	s6 =	sshll.u32 s4, $0x7;
	s4 =	ssub.s32 $0x2, s4;
	[dreg:$0x1b] =	wrdreg s18  }
0x17: {  	s5 =	sor.u32 s6, s5;
	s19 =	sshrl.u32 s4, $0x1;
	[dreg:$0x1c] =	wrdreg s20  }
0x18: {  	s22 =	simm.s32 $0xB880;
	s23 =	simm.s32 $0xC080;
	s24 =	simm.s32 $0xC880  }
0x19: {  	s25 =	simm.s32 $0xD080;
	s8 =	simm.s32 $0x80;
	s26 =	simm.s32 $0xD880  }
0x1a: {  	s9 =	simm.s32 $0x18080;
	s11 =	simm.s32 $0xE880;
	s12 =	simm.s32 $0xF080  }
0x1b: {  	s13 =	simm.s32 $0xF880;
	s14 =	simm.s32 $0x10080;
	[dreg:$0x1e] =	wrdreg s22  }
0x1c: {  	s15 =	simm.s32 $0x10880;
	s16 =	simm.s32 $0x11080;
	[dreg:$0x1f] =	wrdreg s23  }
0x1d: {  	s17 =	simm.s32 $0x11880;
	s18 =	simm.s32 $0x12080;
	[smem:$0x7FB] =	sst s24  }
0x1e: {  	s20 =	simm.s32 $0x13080;
	s6 =	sshrl.u32 s5, $0x3;
	[smem:$0x7FC] =	sst s25  }
0x1f: {  	s5 =	sshll.u32 s5, $0x4;
	[smem:$0x7FD] =	sst s26;
	s7 =	sadd.s32 s6, s1  }
0x20: {  	s22 =	simm.s32 $0x14080;
	s5 =	sadd.s32 s5, s1;
	s7 =	sadd.s32 $0x12600, s7  }
0x21: {  	s6 =	smul.u32 $0x300, s6;
	s21 =	sadd.s32 $0x2000, s5;
	[dreg:$0x5] =	wrdreg s7  }
0x22: {  	s23 =	simm.s32 $0x14880;
	s5 =	simm.s32 $0x3880;
	[dreg:$0x7] =	wrdreg s21  }
0x23: {  	s24 =	simm.s32 $0x15080;
	s3 =	sadd.s32 s3, s6;
	[dreg:$0xe] =	wrdreg s5  }
0x24: {  	s25 =	simm.s32 $0x15880;
	s6 =	simm.s32 $0x4080;
	[dreg:$0x6] =	wrdreg s3  }
0x25: {  	s26 =	simm.s32 $0x16080;
	s7 =	simm.s32 $0x4880;
	[dreg:$0xf] =	wrdreg s6  }
0x26: {  	s21 =	simm.s32 $0xB080;
	s5 =	sadd.s32 $0x12A00, s1;
	[dreg:$0x10] =	wrdreg s7  }
0x27: {  	v2 =	vlaneseq.u32;
	s3 =	sadd.s32 $0x12800, s1;
	s6 =	ssub.s32 s4, s19;
	s4 =	sadd.s32 $0x12900, s1  }
0x28: {  	vm0 =	vmmov $0xffff;
	v1 =	vshrl.u32 v2, $0x3;
	[dreg:$0x1d] =	wrdreg s21;
	s7 =	simm.s32 $0x3;
	s19 =	simm.s32 $0x12880  }
0x29: {  	v0 =	vand.u32 $0x7, v2;
	v2 =	vor.u32 $0x8, v2;
	v1 =	vmul.u32 $0x8, v1;
	s21 =	simm.s32 $0x13880;
	s1 =	simm.s32 $0x2;
	s6 =	smax.u32 s6, $0x1  }
.LBB2_1:
0x2a: {  	s0 =	rddreg [dreg:$0x5]  }
0x2b: {  	[tilespmem:s2], [sflag:$0x3] =	stream.linear.gather [hbm4b:s0+s2], $0x80, $0x38;
	[tilespmem:$0x1C080] =	vst v63  }
0x2c: {  	_ =	swait.ge [sflag:s7], $0x80  }
0x2d: {  	[sflag:s7] =	ssyncset.done $0x0  }
0x2e: {  	s10 =	rddreg [dreg:$0x6];
	[sflag:s7] =	ssyncadd.s32 $0xFFFFFF80  }
0x2f: {  	[tilespmem:s8], [sflag:$0x3] =	stream.linear.gather [hbm4b:s10+s2], $0x18000, $0x38;
	[tilespmem:$0x1C080] =	vst v63  }
0x30: {  	_ =	swait.ge [sflag:s7], $0x18000  }
0x31: {  	[sflag:s7] =	ssyncset.done $0x0  }
0x32: {  	s10 =	rddreg [dreg:$0x7];
	[sflag:s7] =	ssyncadd.s32 $0xFFFE8000  }
0x33: {  	[tilespmem:s9], [sflag:$0x3] =	stream.linear.gather [hbm4b:s10+s2], $0x4000, $0x38;
	[tilespmem:$0x1C080] =	vst v63  }
0x34: {  	_ =	swait.ge [sflag:s7], $0x4000  }
0x35: {  	[sflag:s7] =	ssyncset.done $0x0  }
0x36: {  	[sflag:s7] =	ssyncadd.s32 $0xFFFFC000  }
0x37: {  	v3 =	vld [tilespmem:$0x0];
	_ =	sdelay $0x4  }
0x38: {  	v4 =	vshrl.u32 v3, $0x3  }
0x39: {  	v4 =	vmul.u32 $0x30, v4  }
0x3a: {  	v3 =	vand.u32 $0x7, v3  }
0x3b: {  	v3 =	vor.u32 v3, v4  }
0x3c: {  	v4 =	vperm.xlane v3, v0;
	_ =	sdelay $0x1  }
0x3d: {  	v4 =	vadd.s32 v1, v4;
	_ =	sdelay $0x3  }
0x3e: {  	v3 =	vperm.xlane v3, v2  }
0x3f: {  	[hbm4b:s3+s2] =	stream.indirect_vreg.scatter [tilespmem:s8], [sflag:$0x1], $0x80, v4, vm0, $0xb8;
	[tilespmem:$0x1C080] =	vst v63  }
0x40: {  	s0 =	rddreg [dreg:$0x8];
	v3 =	vadd.s32 v1, v3  }
0x41: {  	[hbm4b:s4+s2] =	stream.indirect_vreg.scatter [tilespmem:s0], [sflag:$0x1], $0x80, v4, vm0, $0xb8;
	[tilespmem:$0x1C080] =	vst v63  }
0x42: {  	s10 =	rddreg [dreg:$0x9]  }
0x43: {  	[hbm4b:s5+s2] =	stream.indirect_vreg.scatter [tilespmem:s10], [sflag:$0x1], $0x80, v4, vm0, $0xb8;
	[tilespmem:$0x1C080] =	vst v63  }
0x44: {  	s0 =	rddreg [dreg:$0xa]  }
0x45: {  	[hbm4b:s3+s2] =	stream.indirect_vreg.scatter [tilespmem:s0], [sflag:$0x1], $0x80, v3, vm0, $0xb8;
	[tilespmem:$0x1C080] =	vst v63  }
0x46: {  	s10 =	rddreg [dreg:$0xb]  }
0x47: {  	[hbm4b:s4+s2] =	stream.indirect_vreg.scatter [tilespmem:s10], [sflag:$0x1], $0x80, v3, vm0, $0xb8;
	[tilespmem:$0x1C080] =	vst v63  }
0x48: {  	s0 =	rddreg [dreg:$0xc]  }
0x49: {  	[hbm4b:s5+s2] =	stream.indirect_vreg.scatter [tilespmem:s0], [sflag:$0x1], $0x80, v3, vm0, $0xb8;
	[tilespmem:$0x1C080] =	vst v63  }
0x4a: {  	v3 =	vld [tilespmem:$0x10];
	_ =	sdelay $0x4  }
0x4b: {  	v57 =	vshrl.u32 v3, $0x3  }
0x4c: {  	v4 =	vmul.u32 $0x30, v57  }
0x4d: {  	v3 =	vand.u32 $0x7, v3  }
0x4e: {  	v3 =	vor.u32 v3, v4  }
0x4f: {  	v4 =	vperm.xlane v3, v0;
	_ =	sdelay $0x1  }
0x50: {  	v4 =	vadd.s32 v1, v4;
	_ =	sdelay $0x3  }
0x51: {  	s0 =	rddreg [dreg:$0xd];
	v3 =	vperm.xlane v3, v2  }
0x52: {  	[hbm4b:s3+s2] =	stream.indirect_vreg.scatter [tilespmem:s0], [sflag:$0x1], $0x80, v4, vm0, $0xb8;
	[tilespmem:$0x1C080] =	vst v63  }
0x53: {  	s10 =	rddreg [dreg:$0xe];
	v3 =	vadd.s32 v1, v3  }
0x54: {  	[hbm4b:s4+s2] =	stream.indirect_vreg.scatter [tilespmem:s10], [sflag:$0x1], $0x80, v4, vm0, $0xb8;
	[tilespmem:$0x1C080] =	vst v63  }
0x55: {  	s0 =	rddreg [dreg:$0xf]  }
0x56: {  	[hbm4b:s5+s2] =	stream.indirect_vreg.scatter [tilespmem:s0], [sflag:$0x1], $0x80, v4, vm0, $0xb8;
	[tilespmem:$0x1C080] =	vst v63  }
0x57: {  	s10 =	rddreg [dreg:$0x10]  }
0x58: {  	[hbm4b:s3+s2] =	stream.indirect_vreg.scatter [tilespmem:s10], [sflag:$0x1], $0x80, v3, vm0, $0xb8;
	[tilespmem:$0x1C080] =	vst v63  }
0x59: {  	s0 =	rddreg [dreg:$0x11]  }
0x5a: {  	[hbm4b:s4+s2] =	stream.indirect_vreg.scatter [tilespmem:s0], [sflag:$0x1], $0x80, v3, vm0, $0xb8;
	[tilespmem:$0x1C080] =	vst v63  }
0x5b: {  	s10 =	rddreg [dreg:$0x12]  }
0x5c: {  	[hbm4b:s5+s2] =	stream.indirect_vreg.scatter [tilespmem:s10], [sflag:$0x1], $0x80, v3, vm0, $0xb8;
	[tilespmem:$0x1C080] =	vst v63  }
0x5d: {  	v3 =	vld [tilespmem:$0x20];
	_ =	sdelay $0x4  }
0x5e: {  	v58 =	vshrl.u32 v3, $0x3  }
0x5f: {  	v4 =	vmul.u32 $0x30, v58  }
0x60: {  	v3 =	vand.u32 $0x7, v3  }
0x61: {  	v3 =	vor.u32 v3, v4  }
0x62: {  	v4 =	vperm.xlane v3, v0;
	_ =	sdelay $0x1  }
0x63: {  	v4 =	vadd.s32 v1, v4;
	_ =	sdelay $0x3  }
0x64: {  	s0 =	rddreg [dreg:$0x13];
	v3 =	vperm.xlane v3, v2  }
0x65: {  	[hbm4b:s3+s2] =	stream.indirect_vreg.scatter [tilespmem:s0], [sflag:$0x1], $0x80, v4, vm0, $0xb8;
	[tilespmem:$0x1C080] =	vst v63  }
0x66: {  	s10 =	rddreg [dreg:$0x14];
	v3 =	vadd.s32 v1, v3  }
0x67: {  	[hbm4b:s4+s2] =	stream.indirect_vreg.scatter [tilespmem:s10], [sflag:$0x1], $0x80, v4, vm0, $0xb8;
	[tilespmem:$0x1C080] =	vst v63  }
0x68: {  	s0 =	rddreg [dreg:$0x15]  }
0x69: {  	[hbm4b:s5+s2] =	stream.indirect_vreg.scatter [tilespmem:s0], [sflag:$0x1], $0x80, v4, vm0, $0xb8;
	[tilespmem:$0x1C080] =	vst v63  }
0x6a: {  	s10 =	rddreg [dreg:$0x16]  }
0x6b: {  	[hbm4b:s3+s2] =	stream.indirect_vreg.scatter [tilespmem:s10], [sflag:$0x1], $0x80, v3, vm0, $0xb8;
	[tilespmem:$0x1C080] =	vst v63  }
0x6c: {  	s0 =	rddreg [dreg:$0x17]  }
0x6d: {  	[hbm4b:s4+s2] =	stream.indirect_vreg.scatter [tilespmem:s0], [sflag:$0x1], $0x80, v3, vm0, $0xb8;
	[tilespmem:$0x1C080] =	vst v63  }
0x6e: {  	s10 =	rddreg [dreg:$0x18]  }
0x6f: {  	[hbm4b:s5+s2] =	stream.indirect_vreg.scatter [tilespmem:s10], [sflag:$0x1], $0x80, v3, vm0, $0xb8;
	[tilespmem:$0x1C080] =	vst v63  }
0x70: {  	v3 =	vld [tilespmem:$0x30];
	_ =	sdelay $0x4  }
0x71: {  	v59 =	vshrl.u32 v3, $0x3  }
0x72: {  	v4 =	vmul.u32 $0x30, v59  }
0x73: {  	v3 =	vand.u32 $0x7, v3  }
0x74: {  	v3 =	vor.u32 v3, v4  }
0x75: {  	v4 =	vperm.xlane v3, v0;
	_ =	sdelay $0x1  }
0x76: {  	v4 =	vadd.s32 v1, v4;
	_ =	sdelay $0x3  }
0x77: {  	s0 =	rddreg [dreg:$0x19];
	v3 =	vperm.xlane v3, v2  }
0x78: {  	[hbm4b:s3+s2] =	stream.indirect_vreg.scatter [tilespmem:s0], [sflag:$0x1], $0x80, v4, vm0, $0xb8;
	[tilespmem:$0x1C080] =	vst v63  }
0x79: {  	s10 =	rddreg [dreg:$0x1a];
	v3 =	vadd.s32 v1, v3  }
0x7a: {  	[hbm4b:s4+s2] =	stream.indirect_vreg.scatter [tilespmem:s10], [sflag:$0x1], $0x80, v4, vm0, $0xb8;
	[tilespmem:$0x1C080] =	vst v63  }
0x7b: {  	s0 =	rddreg [dreg:$0x1b]  }
0x7c: {  	[hbm4b:s5+s2] =	stream.indirect_vreg.scatter [tilespmem:s0], [sflag:$0x1], $0x80, v4, vm0, $0xb8;
	[tilespmem:$0x1C080] =	vst v63  }
0x7d: {  	s10 =	rddreg [dreg:$0x1c]  }
0x7e: {  	[hbm4b:s3+s2] =	stream.indirect_vreg.scatter [tilespmem:s10], [sflag:$0x1], $0x80, v3, vm0, $0xb8;
	[tilespmem:$0x1C080] =	vst v63  }
0x7f: {  	s0 =	rddreg [dreg:$0x1d]  }
0x80: {  	[hbm4b:s4+s2] =	stream.indirect_vreg.scatter [tilespmem:s0], [sflag:$0x1], $0x80, v3, vm0, $0xb8;
	[tilespmem:$0x1C080] =	vst v63  }
0x81: {  	s10 =	rddreg [dreg:$0x1e]  }
0x82: {  	[hbm4b:s5+s2] =	stream.indirect_vreg.scatter [tilespmem:s10], [sflag:$0x1], $0x80, v3, vm0, $0xb8;
	[tilespmem:$0x1C080] =	vst v63  }
0x83: {  	v3 =	vld [tilespmem:$0x40];
	_ =	sdelay $0x4  }
0x84: {  	v60 =	vshrl.u32 v3, $0x3  }
0x85: {  	v4 =	vmul.u32 $0x30, v60  }
0x86: {  	v3 =	vand.u32 $0x7, v3  }
0x87: {  	v3 =	vor.u32 v3, v4  }
0x88: {  	v4 =	vperm.xlane v3, v0;
	_ =	sdelay $0x1  }
0x89: {  	v4 =	vadd.s32 v1, v4;
	_ =	sdelay $0x2  }
0x8a: {  	s0 =	rddreg [dreg:$0x1f]  }
0x8b: {  	s10 =	sld [smem:$0x7FB];
	v3 =	vperm.xlane v3, v2  }
0x8c: {  	[hbm4b:s3+s2] =	stream.indirect_vreg.scatter [tilespmem:s0], [sflag:$0x1], $0x80, v4, vm0, $0xb8;
	[tilespmem:$0x1C080] =	vst v63  }
0x8d: {  	v3 =	vadd.s32 v1, v3;
	s0 =	sld [smem:$0x7FC]  }
0x8e: {  	[hbm4b:s4+s2] =	stream.indirect_vreg.scatter [tilespmem:s10], [sflag:$0x1], $0x80, v4, vm0, $0xb8;
	[tilespmem:$0x1C080] =	vst v63  }
0x8f: {  	s10 =	sld [smem:$0x7FD]  }
0x90: {  	[hbm4b:s5+s2] =	stream.indirect_vreg.scatter [tilespmem:s0], [sflag:$0x1], $0x80, v4, vm0, $0xb8;
	[tilespmem:$0x1C080] =	vst v63  }
0x91: {  	_ = 	snop  }
0x92: {  	[hbm4b:s3+s2] =	stream.indirect_vreg.scatter [tilespmem:s10], [sflag:$0x1], $0x80, v3, vm0, $0xb8;
	[tilespmem:$0x1C080] =	vst v63  }
0x93: {  	s10 =	simm.s32 $0xE080  }
0x94: {  	[hbm4b:s4+s2] =	stream.indirect_vreg.scatter [tilespmem:s10], [sflag:$0x1], $0x80, v3, vm0, $0xb8;
	[tilespmem:$0x1C080] =	vst v63  }
0x95: {  	_ = 	snop  }
0x96: {  	[hbm4b:s5+s2] =	stream.indirect_vreg.scatter [tilespmem:s11], [sflag:$0x1], $0x80, v3, vm0, $0xb8;
	[tilespmem:$0x1C080] =	vst v63  }
0x97: {  	v3 =	vld [tilespmem:$0x50];
	_ =	sdelay $0x4  }
0x98: {  	v61 =	vshrl.u32 v3, $0x3  }
0x99: {  	v4 =	vmul.u32 $0x30, v61  }
0x9a: {  	v3 =	vand.u32 $0x7, v3  }
0x9b: {  	v3 =	vor.u32 v3, v4  }
0x9c: {  	v4 =	vperm.xlane v3, v0;
	_ =	sdelay $0x1  }
0x9d: {  	v4 =	vadd.s32 v1, v4;
	_ =	sdelay $0x3  }
0x9e: {  	v3 =	vperm.xlane v3, v2  }
0x9f: {  	[hbm4b:s3+s2] =	stream.indirect_vreg.scatter [tilespmem:s12], [sflag:$0x1], $0x80, v4, vm0, $0xb8;
	[tilespmem:$0x1C080] =	vst v63  }
0xa0: {  	v3 =	vadd.s32 v1, v3  }
0xa1: {  	[hbm4b:s4+s2] =	stream.indirect_vreg.scatter [tilespmem:s13], [sflag:$0x1], $0x80, v4, vm0, $0xb8;
	[tilespmem:$0x1C080] =	vst v63  }
0xa2: {  	_ = 	snop  }
0xa3: {  	[hbm4b:s5+s2] =	stream.indirect_vreg.scatter [tilespmem:s14], [sflag:$0x1], $0x80, v4, vm0, $0xb8;
	[tilespmem:$0x1C080] =	vst v63  }
0xa4: {  	_ = 	snop  }
0xa5: {  	[hbm4b:s3+s2] =	stream.indirect_vreg.scatter [tilespmem:s15], [sflag:$0x1], $0x80, v3, vm0, $0xb8;
	[tilespmem:$0x1C080] =	vst v63  }
0xa6: {  	_ = 	snop  }
0xa7: {  	[hbm4b:s4+s2] =	stream.indirect_vreg.scatter [tilespmem:s16], [sflag:$0x1], $0x80, v3, vm0, $0xb8;
	[tilespmem:$0x1C080] =	vst v63  }
0xa8: {  	_ = 	snop  }
0xa9: {  	[hbm4b:s5+s2] =	stream.indirect_vreg.scatter [tilespmem:s17], [sflag:$0x1], $0x80, v3, vm0, $0xb8;
	[tilespmem:$0x1C080] =	vst v63  }
0xaa: {  	v3 =	vld [tilespmem:$0x60];
	_ =	sdelay $0x4  }
0xab: {  	v62 =	vshrl.u32 v3, $0x3  }
0xac: {  	v4 =	vmul.u32 $0x30, v62  }
0xad: {  	v3 =	vand.u32 $0x7, v3  }
0xae: {  	v3 =	vor.u32 v3, v4  }
0xaf: {  	v4 =	vperm.xlane v3, v0;
	_ =	sdelay $0x1  }
0xb0: {  	v4 =	vadd.s32 v1, v4;
	_ =	sdelay $0x3  }
0xb1: {  	v3 =	vperm.xlane v3, v2  }
0xb2: {  	[hbm4b:s3+s2] =	stream.indirect_vreg.scatter [tilespmem:s18], [sflag:$0x1], $0x80, v4, vm0, $0xb8;
	[tilespmem:$0x1C080] =	vst v63  }
0xb3: {  	v3 =	vadd.s32 v1, v3  }
0xb4: {  	[hbm4b:s4+s2] =	stream.indirect_vreg.scatter [tilespmem:s19], [sflag:$0x1], $0x80, v4, vm0, $0xb8;
	[tilespmem:$0x1C080] =	vst v63  }
0xb5: {  	_ = 	snop  }
0xb6: {  	[hbm4b:s5+s2] =	stream.indirect_vreg.scatter [tilespmem:s20], [sflag:$0x1], $0x80, v4, vm0, $0xb8;
	[tilespmem:$0x1C080] =	vst v63  }
0xb7: {  	_ = 	snop  }
0xb8: {  	[hbm4b:s3+s2] =	stream.indirect_vreg.scatter [tilespmem:s21], [sflag:$0x1], $0x80, v3, vm0, $0xb8;
	[tilespmem:$0x1C080] =	vst v63  }
0xb9: {  	_ = 	snop  }
0xba: {  	[hbm4b:s4+s2] =	stream.indirect_vreg.scatter [tilespmem:s22], [sflag:$0x1], $0x80, v3, vm0, $0xb8;
	[tilespmem:$0x1C080] =	vst v63  }
0xbb: {  	_ = 	snop  }
0xbc: {  	[hbm4b:s5+s2] =	stream.indirect_vreg.scatter [tilespmem:s23], [sflag:$0x1], $0x80, v3, vm0, $0xb8;
	[tilespmem:$0x1C080] =	vst v63  }
0xbd: {  	v3 =	vld [tilespmem:$0x70];
	_ =	sdelay $0x4  }
0xbe: {  	v63 =	vshrl.u32 v3, $0x3  }
0xbf: {  	v4 =	vmul.u32 $0x30, v63  }
0xc0: {  	v3 =	vand.u32 $0x7, v3  }
0xc1: {  	v3 =	vor.u32 v3, v4  }
0xc2: {  	v4 =	vperm.xlane v3, v0;
	_ =	sdelay $0x1  }
0xc3: {  	v4 =	vadd.s32 v1, v4;
	_ =	sdelay $0x3  }
0xc4: {  	v3 =	vperm.xlane v3, v2  }
0xc5: {  	[hbm4b:s3+s2] =	stream.indirect_vreg.scatter [tilespmem:s24], [sflag:$0x1], $0x80, v4, vm0, $0xb8;
	[tilespmem:$0x1C080] =	vst v63  }
0xc6: {  	v3 =	vadd.s32 v1, v3  }
0xc7: {  	[hbm4b:s4+s2] =	stream.indirect_vreg.scatter [tilespmem:s25], [sflag:$0x1], $0x80, v4, vm0, $0xb8;
	[tilespmem:$0x1C080] =	vst v63  }
0xc8: {  	_ = 	snop  }
0xc9: {  	[hbm4b:s5+s2] =	stream.indirect_vreg.scatter [tilespmem:s26], [sflag:$0x1], $0x80, v4, vm0, $0xb8;
	[tilespmem:$0x1C080] =	vst v63  }
0xca: {  	_ = 	snop  }
0xcb: {  	[hbm4b:s3+s2] =	stream.indirect_vreg.scatter [tilespmem:s28], [sflag:$0x1], $0x80, v3, vm0, $0xb8;
	[tilespmem:$0x1C080] =	vst v63  }
0xcc: {  	_ = 	snop  }
0xcd: {  	[hbm4b:s4+s2] =	stream.indirect_vreg.scatter [tilespmem:s29], [sflag:$0x1], $0x80, v3, vm0, $0xb8;
	[tilespmem:$0x1C080] =	vst v63  }
0xce: {  	_ = 	snop  }
0xcf: {  	[hbm4b:s5+s2] =	stream.indirect_vreg.scatter [tilespmem:s30], [sflag:$0x1], $0x80, v3, vm0, $0xb8;
	[tilespmem:$0x1C080] =	vst v63  }
0xd0: {  	s10 =	rddreg [dreg:$0x4]  }
0xd1: {  	[hbm4b:s10+s8] =	stream.indirect.scatter [tilespmem:s9], [sflag:$0x2], $0x80, s2, s8, $0xb8;
	[tilespmem:$0x1C080] =	vst v63  }
0xd2: {  	p0 =	sne.s32 s6, $0x1;
	_ =	swait.ge [sflag:s31], $0x18000  }
.Ltmp0:
0xd3: {  	[sflag:s31] =	ssyncset.done $0x0;
	(pc) =	sbr.rel @p0 .LBB2_1-.Ltmp0, $4  }
0xd4: {  	[sflag:s31] =	ssyncadd.s32 $0xFFFE8000  }
0xd5: {  	_ =	swait.ge [sflag:s1], $0x4000  }
0xd6: {  	[sflag:s1] =	ssyncset.done $0x0  }
0xd7: {  	s6 =	sadd.s32 $0xFFFFFFFF, s6;
	[sflag:s1] =	ssyncadd.s32 $0xFFFFC000  }
0xd8: {  	_ =	sfence.sel $0x180000  }
0xd9: {  	[bflag:$0x0] =	sbarrier.arrive $0xFFFF  }
0xda: {  	_ =	strace $0x90000047  }
0xdb: {  	s0 =	stileid.u32;
	[bflag:$0x2] =	sbarrier.arrive $0xFFFF  }
0xdc: {  	p0 =	sne.s32 s0, $0x0;
	s0 =	rddreg [dreg:$0x3]  }
0xdd: {  	s0 =	sadd.s32 @!p0 $0x100000, s0  }
0xde: {  	[sflag:s0] =	ssyncadd.tile.s32 @!p0 $0x1;
	_ =	shalt  }
.Lfunc_end2:
_tile_overlayer_lowered:
.L_overlay_start_2:
0xdf: {  	(tag) =	ssettag $0x2  }
0xe0: {  	s0 =	rddreg [dreg:$0x0];
	s2 =	stileid.u32  }
0xe1: {  	s1 =	rddreg [dreg:$0x1];
	p0 =	sne.s32 s2, $0x0  }
0xe2: {  	s3 =	rddreg [dreg:$0x2];
	[bflag:$0x3] =	sbarrier.arrive $0xFFFF;
	s2 =	simm.s32 @!p0 $0x1C03  }
0xe3: {  	[timem:s3], [sflag:s2] =	dma.local @!p0 [hbm:s0], s1  }
0xe4: {  	s0 =	simm.s32 @!p0 $0x3  }
0xe5: {  	_ =	swait.ge @!p0 [sflag:s0], s1  }
0xe6: {  	s1 =	ssub.s32 @!p0 $0x0, s1;
	[sflag:s0] =	ssyncset.done @!p0 $0x0  }
0xe7: {  	[sflag:s0] =	ssyncadd.s32 @!p0 s1  }
0xe8: {  	[bflag:$0x3] =	sbarrier.arrive $0xFFFF  }
0xe9: {  	_ =	shalt  }

// kernel: kernel.9.cloned.1.call-start
scs
__scs_entry_jumppad:
0x0: {  	(pc) =	sbr.rel $0x88, $3  }
0x1: {  	(tag) =	ssettag $0x0;
	lr =	simm.s32 $0x1  }
0x2: {  	[smem:$0x3F9B] =	sst lr;
	_ =	strace $0xD0000000  }
0x3: {  	_ = 	snop  }
0x4: {  	_ = 	snop  }
0x5: {  	_ = 	snop  }
0x6: {  	_ = 	snop  }
0x7: {  	_ = 	snop  }
__scs_overlays_trampoline_lowered:
0x8: {  	[smem:$0x3FAA] =	sst s0  }
0x9: {  	[smem:$0x3FAB] =	sst s1  }
0xa: {  	[smem:$0x3FAC] =	sst s2  }
0xb: {  	[smem:$0x3FAD] =	sst s3  }
0xc: {  	[smem:$0x3FAE] =	sst s4  }
0xd: {  	[smem:$0x3FAF] =	sst s5  }
0xe: {  	[smem:$0x3FB0] =	sst s6  }
0xf: {  	[smem:$0x3FB1] =	sst s7  }
0x10: {  	[smem:$0x3FB2] =	sst s8  }
0x11: {  	[smem:$0x3FB3] =	sst s9;
	s0 =	simm.s32 @!p0 $0x0  }
0x12: {  	s1 =	sld [smem:$0x3F99];
	s0 =	simm.s32 @p0 $0x1  }
0x13: {  	[smem:$0x3FB4] =	sst s0;
	s0 =	simm.s32 @!p1 $0x0  }
0x14: {  	s2 =	sld [smem:$0x3F98];
	s0 =	simm.s32 @p1 $0x1  }
0x15: {  	[smem:$0x3FB5] =	sst s0;
	s0 =	simm.s32 @!p2 $0x0  }
0x16: {  	s3 =	sld [smem:$0x3FDB];
	s0 =	simm.s32 @p2 $0x1  }
0x17: {  	s4 =	simm.s32 $0x1BF5;
	[smem:$0x3FB7] =	sst s0  }
0x18: {  	s0 =	sld [smem:$0x3F9A];
	_ =	swait.ge [sflag:s4], $0x0  }
0x19: {  	s7 =	sld [smem:$0x3F9B]  }
0x1a: {  	s8 =	sadd.s32 $0xFFFFE003, lr  }
0x1b: {  	s9 =	sadd.s32 $0xFFFFFEF7, lr;
	s5 =	simm.s32 $0xFFFFFFFF;
	p2 =	slt.u32 s8, $0xFFFFF086  }
0x1c: {  	p1 =	slt.u32 s9, $0xF7A;
	s5 =	simm.s32 @!p2 $0x0  }
0x1d: {  	s5 =	simm.s32 @p1 $0x1;
	p0 =	seq.s32 s7, s2  }
0x1e: {  	s7 =	smul.u32 @!p0 $0xF7A, s2;
	p2 =	seq.s32 @!p0 s5, $0x0  }
0x1f: {  	s9 =	smul.u32 $0xF7A, s1;
	s8 =	simm.s32 @!p0 $0x1BF5;
	p2 =	por !p2, p0  }
0x20: {  	[sflag:s8] =	ssyncset.s32 @!p0 $0xFFFFF086;
	s6 =	sadd.s32 @!p0 s3, s7;
	s7 =	simm.s32 @!p0 $0x108  }
0x21: {  	s3 =	sadd.s32 s3, s9;
	s6 =	sadd.s32 @!p0 $0x88, s6;
	s7 =	simm.s32 @p2 $0x1082  }
0x22: {  	[simem:s7], [sflag:s8] =	dma.local @!p0 [hbm:s6], $0xF7A  }
0x23: {  	s9 =	sor.u32 $0xD0000000, s2;
	s6 =	simm.s32 $0x108;
	_ =	swait.ge @!p0 [sflag:s8], $0x0  }
0x24: {  	s3 =	sadd.s32 $0x88, s3;
	s6 =	simm.s32 @!p1 $0x1082;
	[sflag:s4] =	ssyncset.s32 $0xFFFFF086  }
0x25: {  	[simem:s6], [sflag:s4] =	dma.local [hbm:s3], $0xF7A  }
0x26: {  	[smem:$0x3F9B] =	sst s1;
	(tag) =	ssettag s2;
	_ =	strace s9  }
0x27: {  	s1 =	sld [smem:$0x3FAB]  }
0x28: {  	s2 =	sld [smem:$0x3FAC]  }
0x29: {  	s4 =	sld [smem:$0x3FAE]  }
0x2a: {  	p0 =	seq.s32 s5, $0x0;
	s5 =	sld [smem:$0x3FAF]  }
0x2b: {  	s6 =	sld [smem:$0x3FB0]  }
0x2c: {  	s7 =	sld [smem:$0x3FB1]  }
0x2d: {  	s3 =	simm.s32 $0x108;
	s8 =	sld [smem:$0x3FB2]  }
0x2e: {  	s3 =	simm.s32 @!p0 $0x1082;
	s9 =	sld [smem:$0x3FB3]  }
0x2f: {  	lr =	sadd.s32 s0, s3;
	s0 =	sld [smem:$0x3FAA]  }
0x30: {  	s3 =	sld [smem:$0x3FAD]  }
0x31: {  	[smem:$0x3FB6] =	sst s10  }
0x32: {  	s10 =	sld [smem:$0x3FB4];
	_ =	sdelay $0x3  }
0x33: {  	p0 =	seq.s32 s10, $0x1;
	s10 =	sld [smem:$0x3FB6];
	_ =	sdelay $0x3  }
0x34: {  	[smem:$0x3FB6] =	sst s10  }
0x35: {  	s10 =	sld [smem:$0x3FB5];
	_ =	sdelay $0x3  }
0x36: {  	p1 =	seq.s32 s10, $0x1;
	s10 =	sld [smem:$0x3FB6];
	_ =	sdelay $0x3  }
0x37: {  	[smem:$0x3FB6] =	sst s10  }
0x38: {  	s10 =	sld [smem:$0x3FB7]  }
0x39: {  	_ = 	snop;
	(pc) =	sbr.ind lr, $3  }
0x3a: {  	_ = 	snop  }
0x3b: {  	_ = 	snop  }
0x3c: {  	p2 =	seq.s32 s10, $0x1;
	s10 =	sld [smem:$0x3FB6]  }
0x3d: {  	_ =	shalt  }
0x3e: {  	_ =	shalt  }
0x3f: {  	_ =	shalt  }
0x40: {  	_ =	shalt  }
0x41: {  	_ =	shalt  }
0x42: {  	_ =	shalt  }
0x43: {  	_ =	shalt  }
0x44: {  	_ =	shalt  }
0x45: {  	_ =	shalt  }
0x46: {  	_ =	shalt  }
0x47: {  	_ =	shalt  }
0x48: {  	_ =	shalt  }
0x49: {  	_ =	shalt  }
0x4a: {  	_ =	shalt  }
0x4b: {  	_ =	shalt  }
0x4c: {  	_ =	shalt  }
0x4d: {  	_ =	shalt  }
0x4e: {  	_ =	shalt  }
0x4f: {  	_ =	shalt  }
0x50: {  	_ =	shalt  }
0x51: {  	_ =	shalt  }
0x52: {  	_ =	shalt  }
0x53: {  	_ =	shalt  }
0x54: {  	_ =	shalt  }
0x55: {  	_ =	shalt  }
0x56: {  	_ =	shalt  }
0x57: {  	_ =	shalt  }
0x58: {  	_ =	shalt  }
0x59: {  	_ =	shalt  }
0x5a: {  	_ =	shalt  }
0x5b: {  	_ =	shalt  }
0x5c: {  	_ =	shalt  }
0x5d: {  	_ =	shalt  }
0x5e: {  	_ =	shalt  }
0x5f: {  	_ =	shalt  }
0x60: {  	_ =	shalt  }
0x61: {  	_ =	shalt  }
0x62: {  	_ =	shalt  }
0x63: {  	_ =	shalt  }
0x64: {  	_ =	shalt  }
0x65: {  	_ =	shalt  }
0x66: {  	_ =	shalt  }
0x67: {  	_ =	shalt  }
0x68: {  	_ =	shalt  }
0x69: {  	_ =	shalt  }
0x6a: {  	_ =	shalt  }
0x6b: {  	_ =	shalt  }
0x6c: {  	_ =	shalt  }
0x6d: {  	_ =	shalt  }
0x6e: {  	_ =	shalt  }
0x6f: {  	_ =	shalt  }
0x70: {  	_ =	shalt  }
0x71: {  	_ =	shalt  }
0x72: {  	_ =	shalt  }
0x73: {  	_ =	shalt  }
0x74: {  	_ =	shalt  }
0x75: {  	_ =	shalt  }
0x76: {  	_ =	shalt  }
0x77: {  	_ =	shalt  }
0x78: {  	_ =	shalt  }
0x79: {  	_ =	shalt  }
0x7a: {  	_ =	shalt  }
0x7b: {  	_ =	shalt  }
0x7c: {  	_ =	shalt  }
0x7d: {  	_ =	shalt  }
0x7e: {  	_ =	shalt  }
0x7f: {  	_ =	shalt  }
0x80: {  	_ =	shalt  }
0x81: {  	_ =	shalt  }
0x82: {  	_ =	shalt  }
0x83: {  	_ =	shalt  }
0x84: {  	_ =	shalt  }
0x85: {  	_ =	shalt  }
0x86: {  	_ =	shalt  }
0x87: {  	_ =	shalt  }
.Lfunc_end0:
.L_simem_size_0:
called_computation.1_lowered:
.L_overlay_start_0:
0x88: {  	s2 =	sld [smem:$0x3FD9]  }
0x89: {  	s3 =	sld [smem:$0x3FFE];
	_ =	sdelay $0x1  }
0x8a: {  	s1 =	srdreg.scid  }
0x8b: {  	s0 =	sand.u32 $0x1, s1  }
0x8c: {  	s14 =	sshll.u32 s0, $0xA;
	s2 =	sadd.s32 s3, s2  }
0x8d: {  	s2 =	sadd.s32 s2, s14  }
0x8e: {  	[smem:$0x3FC2] =	sst s2  }
0x8f: {  	_ = 	snop  }
0x90: {  	s2 =	sld [smem:$0x3FD0];
	_ =	sdelay $0x2  }
0x91: {  	s15 =	simm.s32 $0xA;
	s4 =	simm.s32 $0x10  }
0x92: {  	[smem:s4], [sflag:s15] =	dma.local [hbm:s2], $0x1  }
0x93: {  	_ =	swait.eq [sflag:s15], $0x1  }
0x94: {  	[sflag:s15] =	ssyncset.done $0x0  }
0x95: {  	[sflag:s15] =	ssyncadd.s32 $0xFFFFFFFF  }
0x96: {  	s16 =	sld [smem:$0x10];
	(tm) =	ssettm $0x1  }
0x97: {  	s17 =	sld [smem:$0x3FFB];
	_ =	sdelay $0x3  }
0x98: {  	_ =	strace s17  }
0x99: {  	s3 =	sld [smem:$0x3FFC];
	_ =	sdelay $0x3  }
0x9a: {  	_ =	strace s3  }
0x9b: {  	s3 =	sld [smem:$0x3FFD];
	_ =	sdelay $0x3  }
0x9c: {  	_ =	strace s3  }
0x9d: {  	_ =	strace $0x8FFFFFFF  }
0x9e: {  	s18 =	sld [smem:$0x3FDB];
	_ =	sdelay $0x1  }
0x9f: {  	s19 =	simm.s32 $_scs_section_size  }
0xa0: {  	s5 =	simm.s32 $_size__tile_overlayer_lowered;
	s6 =	simm.s32 $_tile_overlayer_lowered  }
0xa1: {  	s22 =	simm.s32 $0x1BFF;
	s21 =	sshll.u32 s6, $0x1;
	s3 =	sadd.s32 s19, s18  }
0xa2: {  	s7 =	simm.s32 $0x0;
	s20 =	sshll.u32 s5, $0x1;
	s5 =	sadd.s32 s21, s3  }
0xa3: {  	[timem:s7], [sflag:s22] =	dma.local [hbm:s5], s20  }
0xa4: {  	_ =	swait.ge [sflag:s22], s20  }
0xa5: {  	s4 =	ssub.s32 $0x0, s20;
	[sflag:s22] =	ssyncset.done $0x0  }
0xa6: {  	[sflag:s22] =	ssyncadd.s32 s4;
	_ =	sdelay $0x1  }
0xa7: {  	s23 =	simm.s32 $0x1B8B  }
0xa8: {  	_ =	swait.ge [sflag:s23], $0x1  }
0xa9: {  	[sflag:s23] =	ssyncset.done $0x0  }
0xaa: {  	s25 =	simm.s32 $0x1B8E;
	s24 =	sld [smem:$0x3FFE];
	[sflag:s23] =	ssyncadd.s32 $0xFFFFFFFF  }
0xab: {  	s26 =	simm.s32 $execute0_lowered;
	[smem:$0x3FD2] =	sst s25  }
0xac: {  	s5 =	sshll.u32 s26, $0x1;
	_ =	strace $0x80000049;
	[dreg:$0x1] =	wrdreg $0xFFFFFFFF  }
0xad: {  	s28 =	simm.s32 $_size_execute0_lowered;
	s3 =	sadd.s32 s3, s5;
	[dreg:$0x0] =	wrdreg $0x0  }
0xae: {  	s5 =	sshll.u32 s28, $0x1;
	[dreg:$0x2] =	wrdreg s3  }
0xaf: {  	[dreg:$0x3] =	wrdreg s5  }
0xb0: {  	[dreg:$0x4] =	wrdreg $0xC0  }
0xb1: {  	_ =	task [dreg:s7], $0x5FFFF  }
0xb2: {  	[dreg:$0x1] =	wrdreg $0xFFFFFFFF  }
0xb3: {  	[dreg:$0x0] =	wrdreg $0x60  }
0xb4: {  	[dreg:$0x2] =	wrdreg s24  }
0xb5: {  	[dreg:$0x3] =	wrdreg s16  }
0xb6: {  	[dreg:$0x4] =	wrdreg $0x9  }
0xb7: {  	_ =	task.clear_ibuf [dreg:s7], $0x5FFFF;
	_ =	strace $0x90000049  }
0xb8: {  	s29 =	simm.s32 $0x9;
	_ =	strace $0x8000004B  }
0xb9: {  	_ =	swait.ge [sflag:s29], $0x1  }
0xba: {  	[sflag:s29] =	ssyncadd.s32 $0xFFFFFFFF  }
0xbb: {  	_ =	strace $0x9000004B  }
0xbc: {  	_ =	sfence  }
0xbd: {  	s30 =	sld [smem:$0x0];
	_ =	sdelay $0x2  }
0xbe: {  	s31 =	sshll.u32 s1, $0xD;
	s1 =	sshrl.u32 s1, $0x2  }
0xbf: {  	s3 =	sand.u32 $0x4000, s31;
	s1 =	sadd.s32 s1, s30  }
0xc0: {  	s0 =	sor.u32 s3, s0;
	s1 =	sshll.u32 s1, $0x11  }
0xc1: {  	s0 =	sor.u32 s1, s0  }
0xc2: {  	s0 =	sadd.s32 $0x8F2B, s0  }
0xc3: {  	[sflag:s0] =	ssyncadd.remote.s32 $0x1  }
0xc4: {  	_ =	sfence.sel $0xFFFF  }
0xc5: {  	[dreg:$0x0] =	wrdreg $0xFFFFFFFF;
	(pc) =	sbr.abs _section_cstart, $3  }
0xc6: {  	[dreg:$0x1] =	wrdreg $0xFFFFFFFF  }
0xc7: {  	_ =	task.clear_ibuf [dreg:s7], $0x2FFFF;
	_ =	strace $0x9FFFFFFF  }
0xc8: {  	(tm) =	ssettm $0x7FFFFFFF  }
0xc9: {  	_ =	shalt  }
tec
execute0_lowered:
.L_overlay_start_1:
0x0: {  	(tag) =	ssettag $0x1  }
0x1: {  	s2 =	srdreg.scid;
	s1 =	rddreg [dreg:$0x0]  }
0x2: {  	s3 =	rddreg [dreg:$0x1];
	s4 =	sand.u32 $0x1, s2;
	s2 =	simm.s32 $0x0  }
0x3: {  	s0 =	stileid.u32;
	s25 =	simm.s32 $0x880;
	[smem:$0x7FF] =	sst s2  }
0x4: {  	s26 =	simm.s32 $0x1080;
	_ =	strace $0x8000004A;
	[dreg:$0x5] =	wrdreg s25  }
0x5: {  	s5 =	sshll.u32 s0, $0x5;
	s0 =	simm.s32 $0x1880;
	[dreg:$0x6] =	wrdreg s26  }
0x6: {  	s7 =	simm.s32 $0x3080;
	[dreg:$0x7] =	wrdreg s0  }
0x7: {  	s8 =	simm.s32 $0x3880;
	[dreg:$0xa] =	wrdreg s7  }
0x8: {  	s9 =	simm.s32 $0x4080;
	[dreg:$0xb] =	wrdreg s8  }
0x9: {  	s10 =	simm.s32 $0x4880;
	[dreg:$0xc] =	wrdreg s9  }
0xa: {  	s11 =	simm.s32 $0x5080;
	[dreg:$0xd] =	wrdreg s10  }
0xb: {  	s12 =	simm.s32 $0x5880;
	[dreg:$0xe] =	wrdreg s11  }
0xc: {  	s13 =	simm.s32 $0x6080;
	[dreg:$0xf] =	wrdreg s12  }
0xd: {  	s14 =	simm.s32 $0x6880;
	[dreg:$0x10] =	wrdreg s13  }
0xe: {  	s15 =	simm.s32 $0x7080;
	[dreg:$0x11] =	wrdreg s14  }
0xf: {  	s16 =	simm.s32 $0x7880;
	s17 =	simm.s32 $0x8080;
	[dreg:$0x12] =	wrdreg s15  }
0x10: {  	s18 =	simm.s32 $0x8880;
	s19 =	simm.s32 $0x9080;
	[dreg:$0x13] =	wrdreg s16  }
0x11: {  	s21 =	simm.s32 $0x9880;
	s22 =	simm.s32 $0xA080;
	[dreg:$0x14] =	wrdreg s17  }
0x12: {  	s23 =	simm.s32 $0xB080;
	s24 =	simm.s32 $0xB880;
	[dreg:$0x15] =	wrdreg s18  }
0x13: {  	s28 =	simm.s32 $0x16080;
	s29 =	simm.s32 $0x16880;
	[dreg:$0x16] =	wrdreg s19  }
0x14: {  	s30 =	simm.s32 $0x17080;
	s31 =	simm.s32 $0x17880;
	[dreg:$0x17] =	wrdreg s21  }
0x15: {  	s6 =	sshll.u32 s4, $0x4;
	s4 =	ssub.s32 $0x2, s4;
	[dreg:$0x18] =	wrdreg s22  }
0x16: {  	s5 =	sor.u32 s6, s5;
	s20 =	sshrl.u32 s4, $0x1;
	[dreg:$0x1a] =	wrdreg s23  }
0x17: {  	s7 =	simm.s32 $0xA880;
	[dreg:$0x1b] =	wrdreg s24;
	s25 =	simm.s32 $0xC080  }
0x18: {  	s8 =	simm.s32 $0x80;
	s26 =	simm.s32 $0xC880;
	s10 =	simm.s32 $0xD880  }
0x19: {  	s11 =	simm.s32 $0xE080;
	s12 =	simm.s32 $0xE880;
	s13 =	simm.s32 $0xF080  }
0x1a: {  	s14 =	simm.s32 $0xF880;
	s15 =	simm.s32 $0x10080;
	s16 =	simm.s32 $0x10880  }
0x1b: {  	s17 =	simm.s32 $0x11080;
	s18 =	simm.s32 $0x11880;
	s19 =	simm.s32 $0x12080  }
0x1c: {  	s21 =	simm.s32 $0x13080;
	s22 =	simm.s32 $0x13880;
	[dreg:$0x19] =	wrdreg s7  }
0x1d: {  	s6 =	sadd.s32 s5, s1;
	s5 =	smul.u32 $0x300, s5;
	[dreg:$0x1c] =	wrdreg s25  }
0x1e: {  	s23 =	simm.s32 $0x14080;
	[dreg:$0x1d] =	wrdreg s26;
	s6 =	sadd.s32 $0x12600, s6  }
0x1f: {  	s24 =	simm.s32 $0x14880;
	[dreg:$0x3] =	wrdreg s6;
	s3 =	sadd.s32 s3, s5  }
0x20: {  	s7 =	simm.s32 $0x2;
	s5 =	simm.s32 $0x2080;
	[dreg:$0x4] =	wrdreg s3  }
0x21: {  	s25 =	simm.s32 $0x15080;
	s6 =	simm.s32 $0x2880;
	[dreg:$0x8] =	wrdreg s5  }
0x22: {  	v2 =	vlaneseq.u32;
	s26 =	simm.s32 $0x15880;
	[dreg:$0x9] =	wrdreg s6;
	s3 =	sadd.s32 $0x12800, s1  }
0x23: {  	vm0 =	vmmov $0xffff;
	v1 =	vshrl.u32 v2, $0x3;
	s6 =	ssub.s32 s4, s20;
	s4 =	sadd.s32 $0x12900, s1;
	s5 =	sadd.s32 $0x12A00, s1  }
0x24: {  	v0 =	vand.u32 $0x7, v2;
	v2 =	vor.u32 $0x8, v2;
	v1 =	vmul.u32 $0x8, v1;
	s20 =	simm.s32 $0x12880;
	s1 =	simm.s32 $0x1;
	s6 =	smax.u32 s6, $0x1  }
.LBB2_1:
0x25: {  	s0 =	rddreg [dreg:$0x3]  }
0x26: {  	[tilespmem:s2], [sflag:$0x2] =	stream.linear.gather [hbm4b:s0+s2], $0x80, $0x38;
	[tilespmem:$0x18080] =	vst v63  }
0x27: {  	_ =	swait.ge [sflag:s7], $0x80  }
0x28: {  	[sflag:s7] =	ssyncset.done $0x0  }
0x29: {  	[sflag:s7] =	ssyncadd.s32 $0xFFFFFF80  }
0x2a: {  	v3 =	vld [tilespmem:$0x0];
	_ =	sdelay $0x4  }
0x2b: {  	v4 =	vshrl.u32 v3, $0x3  }
0x2c: {  	v4 =	vmul.u32 $0x30, v4  }
0x2d: {  	v3 =	vand.u32 $0x7, v3  }
0x2e: {  	v3 =	vor.u32 v3, v4  }
0x2f: {  	v4 =	vperm.xlane v3, v0;
	_ =	sdelay $0x1  }
0x30: {  	v4 =	vadd.s32 v1, v4;
	_ =	sdelay $0x3  }
0x31: {  	v3 =	vperm.xlane v3, v2  }
0x32: {  	[tilespmem:s8], [sflag:$0x1] =	stream.indirect_vreg.gather [hbm4b:s3+s2], $0x80, v4, vm0, $0xb8;
	[tilespmem:$0x18080] =	vst v63  }
0x33: {  	s0 =	rddreg [dreg:$0x5];
	v3 =	vadd.s32 v1, v3  }
0x34: {  	[tilespmem:s0], [sflag:$0x1] =	stream.indirect_vreg.gather [hbm4b:s4+s2], $0x80, v4, vm0, $0xb8;
	[tilespmem:$0x18080] =	vst v63  }
0x35: {  	s9 =	rddreg [dreg:$0x6]  }
0x36: {  	[tilespmem:s9], [sflag:$0x1] =	stream.indirect_vreg.gather [hbm4b:s5+s2], $0x80, v4, vm0, $0xb8;
	[tilespmem:$0x18080] =	vst v63  }
0x37: {  	s0 =	rddreg [dreg:$0x7]  }
0x38: {  	[tilespmem:s0], [sflag:$0x1] =	stream.indirect_vreg.gather [hbm4b:s3+s2], $0x80, v3, vm0, $0xb8;
	[tilespmem:$0x18080] =	vst v63  }
0x39: {  	s9 =	rddreg [dreg:$0x8]  }
0x3a: {  	[tilespmem:s9], [sflag:$0x1] =	stream.indirect_vreg.gather [hbm4b:s4+s2], $0x80, v3, vm0, $0xb8;
	[tilespmem:$0x18080] =	vst v63  }
0x3b: {  	s0 =	rddreg [dreg:$0x9]  }
0x3c: {  	[tilespmem:s0], [sflag:$0x1] =	stream.indirect_vreg.gather [hbm4b:s5+s2], $0x80, v3, vm0, $0xb8;
	[tilespmem:$0x18080] =	vst v63  }
0x3d: {  	v3 =	vld [tilespmem:$0x10];
	_ =	sdelay $0x4  }
0x3e: {  	v57 =	vshrl.u32 v3, $0x3  }
0x3f: {  	v4 =	vmul.u32 $0x30, v57  }
0x40: {  	v3 =	vand.u32 $0x7, v3  }
0x41: {  	v3 =	vor.u32 v3, v4  }
0x42: {  	v4 =	vperm.xlane v3, v0;
	_ =	sdelay $0x1  }
0x43: {  	v4 =	vadd.s32 v1, v4;
	_ =	sdelay $0x3  }
0x44: {  	s0 =	rddreg [dreg:$0xa];
	v3 =	vperm.xlane v3, v2  }
0x45: {  	[tilespmem:s0], [sflag:$0x1] =	stream.indirect_vreg.gather [hbm4b:s3+s2], $0x80, v4, vm0, $0xb8;
	[tilespmem:$0x18080] =	vst v63  }
0x46: {  	s9 =	rddreg [dreg:$0xb];
	v3 =	vadd.s32 v1, v3  }
0x47: {  	[tilespmem:s9], [sflag:$0x1] =	stream.indirect_vreg.gather [hbm4b:s4+s2], $0x80, v4, vm0, $0xb8;
	[tilespmem:$0x18080] =	vst v63  }
0x48: {  	s0 =	rddreg [dreg:$0xc]  }
0x49: {  	[tilespmem:s0], [sflag:$0x1] =	stream.indirect_vreg.gather [hbm4b:s5+s2], $0x80, v4, vm0, $0xb8;
	[tilespmem:$0x18080] =	vst v63  }
0x4a: {  	s9 =	rddreg [dreg:$0xd]  }
0x4b: {  	[tilespmem:s9], [sflag:$0x1] =	stream.indirect_vreg.gather [hbm4b:s3+s2], $0x80, v3, vm0, $0xb8;
	[tilespmem:$0x18080] =	vst v63  }
0x4c: {  	s0 =	rddreg [dreg:$0xe]  }
0x4d: {  	[tilespmem:s0], [sflag:$0x1] =	stream.indirect_vreg.gather [hbm4b:s4+s2], $0x80, v3, vm0, $0xb8;
	[tilespmem:$0x18080] =	vst v63  }
0x4e: {  	s9 =	rddreg [dreg:$0xf]  }
0x4f: {  	[tilespmem:s9], [sflag:$0x1] =	stream.indirect_vreg.gather [hbm4b:s5+s2], $0x80, v3, vm0, $0xb8;
	[tilespmem:$0x18080] =	vst v63  }
0x50: {  	v3 =	vld [tilespmem:$0x20];
	_ =	sdelay $0x4  }
0x51: {  	v58 =	vshrl.u32 v3, $0x3  }
0x52: {  	v4 =	vmul.u32 $0x30, v58  }
0x53: {  	v3 =	vand.u32 $0x7, v3  }
0x54: {  	v3 =	vor.u32 v3, v4  }
0x55: {  	v4 =	vperm.xlane v3, v0;
	_ =	sdelay $0x1  }
0x56: {  	v4 =	vadd.s32 v1, v4;
	_ =	sdelay $0x3  }
0x57: {  	s0 =	rddreg [dreg:$0x10];
	v3 =	vperm.xlane v3, v2  }
0x58: {  	[tilespmem:s0], [sflag:$0x1] =	stream.indirect_vreg.gather [hbm4b:s3+s2], $0x80, v4, vm0, $0xb8;
	[tilespmem:$0x18080] =	vst v63  }
0x59: {  	s9 =	rddreg [dreg:$0x11];
	v3 =	vadd.s32 v1, v3  }
0x5a: {  	[tilespmem:s9], [sflag:$0x1] =	stream.indirect_vreg.gather [hbm4b:s4+s2], $0x80, v4, vm0, $0xb8;
	[tilespmem:$0x18080] =	vst v63  }
0x5b: {  	s0 =	rddreg [dreg:$0x12]  }
0x5c: {  	[tilespmem:s0], [sflag:$0x1] =	stream.indirect_vreg.gather [hbm4b:s5+s2], $0x80, v4, vm0, $0xb8;
	[tilespmem:$0x18080] =	vst v63  }
0x5d: {  	s9 =	rddreg [dreg:$0x13]  }
0x5e: {  	[tilespmem:s9], [sflag:$0x1] =	stream.indirect_vreg.gather [hbm4b:s3+s2], $0x80, v3, vm0, $0xb8;
	[tilespmem:$0x18080] =	vst v63  }
0x5f: {  	s0 =	rddreg [dreg:$0x14]  }
0x60: {  	[tilespmem:s0], [sflag:$0x1] =	stream.indirect_vreg.gather [hbm4b:s4+s2], $0x80, v3, vm0, $0xb8;
	[tilespmem:$0x18080] =	vst v63  }
0x61: {  	s9 =	rddreg [dreg:$0x15]  }
0x62: {  	[tilespmem:s9], [sflag:$0x1] =	stream.indirect_vreg.gather [hbm4b:s5+s2], $0x80, v3, vm0, $0xb8;
	[tilespmem:$0x18080] =	vst v63  }
0x63: {  	v3 =	vld [tilespmem:$0x30];
	_ =	sdelay $0x4  }
0x64: {  	v59 =	vshrl.u32 v3, $0x3  }
0x65: {  	v4 =	vmul.u32 $0x30, v59  }
0x66: {  	v3 =	vand.u32 $0x7, v3  }
0x67: {  	v3 =	vor.u32 v3, v4  }
0x68: {  	v4 =	vperm.xlane v3, v0;
	_ =	sdelay $0x1  }
0x69: {  	v4 =	vadd.s32 v1, v4;
	_ =	sdelay $0x3  }
0x6a: {  	s0 =	rddreg [dreg:$0x16];
	v3 =	vperm.xlane v3, v2  }
0x6b: {  	[tilespmem:s0], [sflag:$0x1] =	stream.indirect_vreg.gather [hbm4b:s3+s2], $0x80, v4, vm0, $0xb8;
	[tilespmem:$0x18080] =	vst v63  }
0x6c: {  	s9 =	rddreg [dreg:$0x17];
	v3 =	vadd.s32 v1, v3  }
0x6d: {  	[tilespmem:s9], [sflag:$0x1] =	stream.indirect_vreg.gather [hbm4b:s4+s2], $0x80, v4, vm0, $0xb8;
	[tilespmem:$0x18080] =	vst v63  }
0x6e: {  	s0 =	rddreg [dreg:$0x18]  }
0x6f: {  	[tilespmem:s0], [sflag:$0x1] =	stream.indirect_vreg.gather [hbm4b:s5+s2], $0x80, v4, vm0, $0xb8;
	[tilespmem:$0x18080] =	vst v63  }
0x70: {  	s9 =	rddreg [dreg:$0x19]  }
0x71: {  	[tilespmem:s9], [sflag:$0x1] =	stream.indirect_vreg.gather [hbm4b:s3+s2], $0x80, v3, vm0, $0xb8;
	[tilespmem:$0x18080] =	vst v63  }
0x72: {  	s0 =	rddreg [dreg:$0x1a]  }
0x73: {  	[tilespmem:s0], [sflag:$0x1] =	stream.indirect_vreg.gather [hbm4b:s4+s2], $0x80, v3, vm0, $0xb8;
	[tilespmem:$0x18080] =	vst v63  }
0x74: {  	s9 =	rddreg [dreg:$0x1b]  }
0x75: {  	[tilespmem:s9], [sflag:$0x1] =	stream.indirect_vreg.gather [hbm4b:s5+s2], $0x80, v3, vm0, $0xb8;
	[tilespmem:$0x18080] =	vst v63  }
0x76: {  	v3 =	vld [tilespmem:$0x40];
	_ =	sdelay $0x4  }
0x77: {  	v60 =	vshrl.u32 v3, $0x3  }
0x78: {  	v4 =	vmul.u32 $0x30, v60  }
0x79: {  	v3 =	vand.u32 $0x7, v3  }
0x7a: {  	v3 =	vor.u32 v3, v4  }
0x7b: {  	v4 =	vperm.xlane v3, v0;
	_ =	sdelay $0x1  }
0x7c: {  	v4 =	vadd.s32 v1, v4;
	_ =	sdelay $0x3  }
0x7d: {  	s0 =	rddreg [dreg:$0x1c];
	v3 =	vperm.xlane v3, v2  }
0x7e: {  	[tilespmem:s0], [sflag:$0x1] =	stream.indirect_vreg.gather [hbm4b:s3+s2], $0x80, v4, vm0, $0xb8;
	[tilespmem:$0x18080] =	vst v63  }
0x7f: {  	s9 =	rddreg [dreg:$0x1d];
	v3 =	vadd.s32 v1, v3  }
0x80: {  	[tilespmem:s9], [sflag:$0x1] =	stream.indirect_vreg.gather [hbm4b:s4+s2], $0x80, v4, vm0, $0xb8;
	[tilespmem:$0x18080] =	vst v63  }
0x81: {  	s9 =	simm.s32 $0xD080  }
0x82: {  	[tilespmem:s9], [sflag:$0x1] =	stream.indirect_vreg.gather [hbm4b:s5+s2], $0x80, v4, vm0, $0xb8;
	[tilespmem:$0x18080] =	vst v63  }
0x83: {  	_ = 	snop  }
0x84: {  	[tilespmem:s10], [sflag:$0x1] =	stream.indirect_vreg.gather [hbm4b:s3+s2], $0x80, v3, vm0, $0xb8;
	[tilespmem:$0x18080] =	vst v63  }
0x85: {  	_ = 	snop  }
0x86: {  	[tilespmem:s11], [sflag:$0x1] =	stream.indirect_vreg.gather [hbm4b:s4+s2], $0x80, v3, vm0, $0xb8;
	[tilespmem:$0x18080] =	vst v63  }
0x87: {  	_ = 	snop  }
0x88: {  	[tilespmem:s12], [sflag:$0x1] =	stream.indirect_vreg.gather [hbm4b:s5+s2], $0x80, v3, vm0, $0xb8;
	[tilespmem:$0x18080] =	vst v63  }
0x89: {  	v3 =	vld [tilespmem:$0x50];
	_ =	sdelay $0x4  }
0x8a: {  	v61 =	vshrl.u32 v3, $0x3  }
0x8b: {  	v4 =	vmul.u32 $0x30, v61  }
0x8c: {  	v3 =	vand.u32 $0x7, v3  }
0x8d: {  	v3 =	vor.u32 v3, v4  }
0x8e: {  	v4 =	vperm.xlane v3, v0;
	_ =	sdelay $0x1  }
0x8f: {  	v4 =	vadd.s32 v1, v4;
	_ =	sdelay $0x3  }
0x90: {  	v3 =	vperm.xlane v3, v2  }
0x91: {  	[tilespmem:s13], [sflag:$0x1] =	stream.indirect_vreg.gather [hbm4b:s3+s2], $0x80, v4, vm0, $0xb8;
	[tilespmem:$0x18080] =	vst v63  }
0x92: {  	v3 =	vadd.s32 v1, v3  }
0x93: {  	[tilespmem:s14], [sflag:$0x1] =	stream.indirect_vreg.gather [hbm4b:s4+s2], $0x80, v4, vm0, $0xb8;
	[tilespmem:$0x18080] =	vst v63  }
0x94: {  	_ = 	snop  }
0x95: {  	[tilespmem:s15], [sflag:$0x1] =	stream.indirect_vreg.gather [hbm4b:s5+s2], $0x80, v4, vm0, $0xb8;
	[tilespmem:$0x18080] =	vst v63  }
0x96: {  	_ = 	snop  }
0x97: {  	[tilespmem:s16], [sflag:$0x1] =	stream.indirect_vreg.gather [hbm4b:s3+s2], $0x80, v3, vm0, $0xb8;
	[tilespmem:$0x18080] =	vst v63  }
0x98: {  	_ = 	snop  }
0x99: {  	[tilespmem:s17], [sflag:$0x1] =	stream.indirect_vreg.gather [hbm4b:s4+s2], $0x80, v3, vm0, $0xb8;
	[tilespmem:$0x18080] =	vst v63  }
0x9a: {  	_ = 	snop  }
0x9b: {  	[tilespmem:s18], [sflag:$0x1] =	stream.indirect_vreg.gather [hbm4b:s5+s2], $0x80, v3, vm0, $0xb8;
	[tilespmem:$0x18080] =	vst v63  }
0x9c: {  	v3 =	vld [tilespmem:$0x60];
	_ =	sdelay $0x4  }
0x9d: {  	v62 =	vshrl.u32 v3, $0x3  }
0x9e: {  	v4 =	vmul.u32 $0x30, v62  }
0x9f: {  	v3 =	vand.u32 $0x7, v3  }
0xa0: {  	v3 =	vor.u32 v3, v4  }
0xa1: {  	v4 =	vperm.xlane v3, v0;
	_ =	sdelay $0x1  }
0xa2: {  	v4 =	vadd.s32 v1, v4;
	_ =	sdelay $0x3  }
0xa3: {  	v3 =	vperm.xlane v3, v2  }
0xa4: {  	[tilespmem:s19], [sflag:$0x1] =	stream.indirect_vreg.gather [hbm4b:s3+s2], $0x80, v4, vm0, $0xb8;
	[tilespmem:$0x18080] =	vst v63  }
0xa5: {  	v3 =	vadd.s32 v1, v3  }
0xa6: {  	[tilespmem:s20], [sflag:$0x1] =	stream.indirect_vreg.gather [hbm4b:s4+s2], $0x80, v4, vm0, $0xb8;
	[tilespmem:$0x18080] =	vst v63  }
0xa7: {  	_ = 	snop  }
0xa8: {  	[tilespmem:s21], [sflag:$0x1] =	stream.indirect_vreg.gather [hbm4b:s5+s2], $0x80, v4, vm0, $0xb8;
	[tilespmem:$0x18080] =	vst v63  }
0xa9: {  	_ = 	snop  }
0xaa: {  	[tilespmem:s22], [sflag:$0x1] =	stream.indirect_vreg.gather [hbm4b:s3+s2], $0x80, v3, vm0, $0xb8;
	[tilespmem:$0x18080] =	vst v63  }
0xab: {  	_ = 	snop  }
0xac: {  	[tilespmem:s23], [sflag:$0x1] =	stream.indirect_vreg.gather [hbm4b:s4+s2], $0x80, v3, vm0, $0xb8;
	[tilespmem:$0x18080] =	vst v63  }
0xad: {  	_ = 	snop  }
0xae: {  	[tilespmem:s24], [sflag:$0x1] =	stream.indirect_vreg.gather [hbm4b:s5+s2], $0x80, v3, vm0, $0xb8;
	[tilespmem:$0x18080] =	vst v63  }
0xaf: {  	v3 =	vld [tilespmem:$0x70];
	_ =	sdelay $0x4  }
0xb0: {  	v63 =	vshrl.u32 v3, $0x3  }
0xb1: {  	v4 =	vmul.u32 $0x30, v63  }
0xb2: {  	v3 =	vand.u32 $0x7, v3  }
0xb3: {  	v3 =	vor.u32 v3, v4  }
0xb4: {  	v4 =	vperm.xlane v3, v0;
	_ =	sdelay $0x1  }
0xb5: {  	v4 =	vadd.s32 v1, v4;
	_ =	sdelay $0x3  }
0xb6: {  	v3 =	vperm.xlane v3, v2  }
0xb7: {  	[tilespmem:s25], [sflag:$0x1] =	stream.indirect_vreg.gather [hbm4b:s3+s2], $0x80, v4, vm0, $0xb8;
	[tilespmem:$0x18080] =	vst v63  }
0xb8: {  	v3 =	vadd.s32 v1, v3  }
0xb9: {  	[tilespmem:s26], [sflag:$0x1] =	stream.indirect_vreg.gather [hbm4b:s4+s2], $0x80, v4, vm0, $0xb8;
	[tilespmem:$0x18080] =	vst v63  }
0xba: {  	_ = 	snop  }
0xbb: {  	[tilespmem:s28], [sflag:$0x1] =	stream.indirect_vreg.gather [hbm4b:s5+s2], $0x80, v4, vm0, $0xb8;
	[tilespmem:$0x18080] =	vst v63  }
0xbc: {  	_ = 	snop  }
0xbd: {  	[tilespmem:s29], [sflag:$0x1] =	stream.indirect_vreg.gather [hbm4b:s3+s2], $0x80, v3, vm0, $0xb8;
	[tilespmem:$0x18080] =	vst v63  }
0xbe: {  	_ = 	snop  }
0xbf: {  	[tilespmem:s30], [sflag:$0x1] =	stream.indirect_vreg.gather [hbm4b:s4+s2], $0x80, v3, vm0, $0xb8;
	[tilespmem:$0x18080] =	vst v63  }
0xc0: {  	_ = 	snop  }
0xc1: {  	[tilespmem:s31], [sflag:$0x1] =	stream.indirect_vreg.gather [hbm4b:s5+s2], $0x80, v3, vm0, $0xb8;
	[tilespmem:$0x18080] =	vst v63  }
0xc2: {  	_ =	swait.ge [sflag:s1], $0x18000  }
0xc3: {  	p0 =	sne.s32 s6, $0x1;
	[sflag:s1] =	ssyncset.done $0x0  }
.Ltmp0:
0xc4: {  	s9 =	rddreg [dreg:$0x4];
	[sflag:s1] =	ssyncadd.s32 $0xFFFE8000;
	(pc) =	sbr.rel @p0 .LBB2_1-.Ltmp0, $4  }
0xc5: {  	[hbm4b:s9+s2] =	stream.linear.scatter [tilespmem:s8], [sflag:$0x2], $0x18000, $0x38;
	[tilespmem:$0x18080] =	vst v63  }
0xc6: {  	_ =	swait.ge [sflag:s7], $0x18000  }
0xc7: {  	[sflag:s7] =	ssyncset.done $0x0  }
0xc8: {  	s6 =	sadd.s32 $0xFFFFFFFF, s6;
	[sflag:s7] =	ssyncadd.s32 $0xFFFE8000  }
0xc9: {  	_ =	sfence.sel $0x180000  }
0xca: {  	[bflag:$0x0] =	sbarrier.arrive $0xFFFF  }
0xcb: {  	_ =	strace $0x9000004A  }
0xcc: {  	s0 =	stileid.u32;
	[bflag:$0x2] =	sbarrier.arrive $0xFFFF  }
0xcd: {  	p0 =	sne.s32 s0, $0x0;
	s0 =	rddreg [dreg:$0x2]  }
0xce: {  	s0 =	sadd.s32 @!p0 $0x100000, s0  }
0xcf: {  	[sflag:s0] =	ssyncadd.tile.s32 @!p0 $0x1;
	_ =	shalt  }
.Lfunc_end2:
_tile_overlayer_lowered:
.L_overlay_start_2:
0xd0: {  	(tag) =	ssettag $0x2  }
0xd1: {  	s0 =	rddreg [dreg:$0x0];
	s2 =	stileid.u32  }
0xd2: {  	s1 =	rddreg [dreg:$0x1];
	p0 =	sne.s32 s2, $0x0  }
0xd3: {  	s3 =	rddreg [dreg:$0x2];
	[bflag:$0x3] =	sbarrier.arrive $0xFFFF;
	s2 =	simm.s32 @!p0 $0x1C02  }
0xd4: {  	[timem:s3], [sflag:s2] =	dma.local @!p0 [hbm:s0], s1  }
0xd5: {  	s0 =	simm.s32 @!p0 $0x2  }
0xd6: {  	_ =	swait.ge @!p0 [sflag:s0], s1  }
0xd7: {  	s1 =	ssub.s32 @!p0 $0x0, s1;
	[sflag:s0] =	ssyncset.done @!p0 $0x0  }
0xd8: {  	[sflag:s0] =	ssyncadd.s32 @!p0 s1  }
0xd9: {  	[bflag:$0x3] =	sbarrier.arrive $0xFFFF  }
0xda: {  	_ =	shalt  }

</sc_bundles>
